<compile_context>
chip_gen: v7x
topology: tpu7x:2x2x1
jax: 0.10.2.dev20260603
libtpu: 0.0.44.dev20260713+nightly
codegen_flags: <defaults>
</compile_context>

<pallas_src>
import functools

import jax
import jax.numpy as jnp
from jax import lax
from jax.experimental import pallas as pl
from jax.experimental.pallas import tpu as pltpu
from jax.experimental.pallas import tpu_sc as plsc

_NC = 2
_NS = 16
_NW = _NC * _NS
_G = 8
_NBUF = 3
_AHEAD = _NBUF - 1


@functools.lru_cache(maxsize=None)
def _make_gather(batch: int, hist: int, dim: int, pdim: int):
    assert batch % (_NW * _G) == 0
    bpw = batch // _NW
    gpw = bpw // _G
    assert gpw > _NBUF

    mesh = plsc.VectorSubcoreMesh(core_axis_name="c", subcore_axis_name="s")

    @functools.partial(
        pl.kernel,
        mesh=mesh,
        out_type=jax.ShapeDtypeStruct((batch, hist, pdim), jnp.float32),
        scratch_types=[
            pltpu.VMEM((_NBUF, _G, hist), jnp.int32),
            pltpu.VMEM((_NBUF, _G, hist, pdim), jnp.float32),
            pltpu.SemaphoreType.DMA,
            pltpu.SemaphoreType.DMA,
            pltpu.SemaphoreType.DMA,
        ],
        compiler_params=pltpu.CompilerParams(use_tc_tiling_on_sc=True),
    )
    def gather(weight_hbm, idx_hbm, out_hbm, idx_b, rows_v, isem, gsem, wsem):
        c = lax.axis_index("c")
        s = lax.axis_index("s")
        wid = s * _NC + c
        row_base = wid * bpw

        def stage_idx(g):
            pltpu.async_copy(
                idx_hbm.at[pl.ds(row_base + g * _G, _G)],
                idx_b.at[lax.rem(g, _NBUF)],
                isem,
            )

        def wait_idx(g):
            pltpu.make_async_copy(
                idx_hbm.at[pl.ds(row_base + g * _G, _G)],
                idx_b.at[lax.rem(g, _NBUF)],
                isem,
            ).wait()

        def fire_group(g, b):
            m = lax.rem(g, _NBUF)
            for k in range(_G):
                pltpu.async_copy(
                    weight_hbm.at[idx_b.at[m, k]],
                    rows_v.at[b, k],
                    gsem,
                )

        def wait_group(g, b):
            m = lax.rem(g, _NBUF)
            for k in range(_G):
                pltpu.make_async_copy(
                    weight_hbm.at[idx_b.at[m, k]],
                    rows_v.at[b, k],
                    gsem,
                ).wait()

        for g in range(_AHEAD):
            stage_idx(g)
            wait_idx(g)
            fire_group(g, g)
        stage_idx(_AHEAD)

        def body(j, carry):
            b = lax.rem(j, _NBUF)
            jf = j + _AHEAD

            @pl.when(jf < gpw)
            def _():
                @pl.when(j >= 1)
                def _():
                    bp = lax.rem(j - 1, _NBUF)
                    pltpu.make_async_copy(
                        rows_v.at[bp],
                        out_hbm.at[pl.ds(row_base + (j - 1) * _G, _G)],
                        wsem,
                    ).wait()

                wait_idx(jf)
                fire_group(jf, lax.rem(jf, _NBUF))

            @pl.when(jf + 1 < gpw)
            def _():
                stage_idx(jf + 1)

            wait_group(j, b)
            pltpu.async_copy(
                rows_v.at[b],
                out_hbm.at[pl.ds(row_base + j * _G, _G)],
                wsem,
            )
            return carry

        lax.fori_loop(0, gpw, body, 0)

        for i in range(_NBUF):
            j = gpw - _NBUF + i
            pltpu.make_async_copy(
                rows_v.at[j % _NBUF],
                out_hbm.at[pl.ds(row_base + j * _G, _G)],
                wsem,
            ).wait()

    return gather


def kernel(input_, weight):
    batch, hist = input_.shape
    dim = weight.shape[1]
    pdim = 128
    idx = input_.astype(jnp.int32)
    eye = jnp.eye(dim, pdim, dtype=weight.dtype)
    wp = jax.lax.dot(weight, eye,
                     precision=jax.lax.Precision.DEFAULT)
    out = _make_gather(batch, hist, dim, pdim)(wp, idx)
    return out[:, :, :dim]

# --- scband reference (transcript-rebuilt; emitter-appended) ---
"""Pipeline reference for scband-embedding1-d-39015482917060 (READ-ONLY COPY).

The authoritative reference and input builder live on the scoring server;
editing this copy changes nothing except your own understanding.
"""

import jax, jax.numpy as jnp
import numpy as np

NUM_EMBEDDINGS = 1000000
EMBED_DIM = 64
BATCH = 16384
HIST = 20

def setup_inputs(seed: int = 0) -> dict:
    key = jax.random.key(seed)
    k1, k2 = jax.random.split(key)
    input_ = jax.random.randint(k1, (BATCH, HIST), 0, NUM_EMBEDDINGS, dtype=jnp.int64 if jax.config.jax_enable_x64 else jnp.int32)
    weight = jax.random.normal(k2, (NUM_EMBEDDINGS, EMBED_DIM), dtype=jnp.float32)
    return {"input_": input_, "weight": weight}

def reference(input_, weight):
    # Embedding1D.forward on a single partition: F.embedding(input_, weight)
    # followed by gather along last dim (identity for world_size=1).
    output = jnp.take(weight, input_, axis=0)
    return output

if __name__ == "__main__":
    import jax
    _d = setup_inputs()
    print(jax.jit(kernel)(*tuple(_d.values())))

</pallas_src>

<mosaic_0001>
#map = affine_map<(d0, d1) -> (0, 0)>
#map1 = affine_map<(d0, d1) -> (0, 0, 0)>
module attributes {stable_mosaic.version = 14 : i64} {
  func.func @gather(%arg0: i32, %arg1: i32, %arg2: memref<1000000x128xf32, #tpu.memory_space<hbm>>, %arg3: memref<16384x20xi32, #tpu.memory_space<hbm>>, %arg4: memref<16384x20x128xf32, #tpu.memory_space<hbm>>, %arg5: memref<3x8x20xi32, #tpu.memory_space<vmem>>, %arg6: memref<3x8x20x128xf32, #tpu.memory_space<vmem>>, %arg7: memref<!tpu.dma_semaphore, #tpu.memory_space<semaphore_mem>>, %arg8: memref<!tpu.dma_semaphore, #tpu.memory_space<semaphore_mem>>, %arg9: memref<!tpu.dma_semaphore, #tpu.memory_space<semaphore_mem>>) attributes {dimension_semantics = [#tpu.dimension_semantics<core_parallel>, #tpu.dimension_semantics<subcore_parallel>], iteration_bounds = array<i64: 2, 16>, scalar_prefetch = 0 : i64, scratch_operands = 5 : i64, tpu.core_type = #tpu.core_type<sc_vector_subcore>, window_params = [{transform_indices = #map}, {transform_indices = #map}, {transform_indices = #map1}]} {
    %mul3A = arith.constant 2 : i32
    %mul3A_0 = arith.muli %arg1, %mul3A : i32
    %add3A = arith.addi %mul3A_0, %arg0 : i32
    %mul3A_1 = arith.constant 512 : i32
    %mul3A_2 = arith.muli %add3A, %mul3A_1 : i32
    %add3A_3 = arith.constant 0 : i32
    %add3A_4 = arith.addi %mul3A_2, %add3A_3 : i32
    %rem3A = arith.constant 0 : i32
    %rem3A_5 = arith.constant 3 : i32
    %rem3A_6 = arith.remsi %rem3A, %rem3A_5 : i32
    %dma_start3A = arith.constant 0 : i32
    %dma_start3A_7 = arith.constant 0 : i32
    %dma_start3A_8 = tpu.memref_slice %arg5[%rem3A_6, %dma_start3A, %dma_start3A_7] : memref<3x8x20xi32, #tpu.memory_space<vmem>> -> memref<1x8x20xi32, #tpu.memory_space<vmem>>
    %dma_start3A_9 = tpu.memref_squeeze %dma_start3A_8 : memref<1x8x20xi32, #tpu.memory_space<vmem>> -> memref<8x20xi32, #tpu.memory_space<vmem>>
    %dma_start3A_10 = arith.constant 0 : i32
    %dma_start3A_11 = tpu.memref_slice %arg3[%add3A_4, %dma_start3A_10] : memref<16384x20xi32, #tpu.memory_space<hbm>> -> memref<8x20xi32, #tpu.memory_space<hbm>>
    %dma_start3A_12 = arith.constant 0 : i32
    %dma_start3A_13 = arith.constant 0 : i32
    %dma_start3A_14 = tpu.memref_slice %arg5[%rem3A_6, %dma_start3A_12, %dma_start3A_13] : memref<3x8x20xi32, #tpu.memory_space<vmem>> -> memref<1x8x20xi32, #tpu.memory_space<vmem>>
    %dma_start3A_15 = tpu.memref_squeeze %dma_start3A_14 : memref<1x8x20xi32, #tpu.memory_space<vmem>> -> memref<8x20xi32, #tpu.memory_space<vmem>>
    %dma_start3A_16 = arith.constant 0 : i32
    %dma_start3A_17 = tpu.memref_slice %arg3[%add3A_4, %dma_start3A_16] : memref<16384x20xi32, #tpu.memory_space<hbm>> -> memref<8x20xi32, #tpu.memory_space<hbm>>
    tpu.enqueue_dma source(%dma_start3A_17 : memref<8x20xi32, #tpu.memory_space<hbm>>) target(%dma_start3A_15 : memref<8x20xi32, #tpu.memory_space<vmem>>) target_semaphore(%arg7 : memref<!tpu.dma_semaphore, #tpu.memory_space<semaphore_mem>>)
    %add3A_18 = arith.constant 0 : i32
    %add3A_19 = arith.addi %mul3A_2, %add3A_18 : i32
    %rem3A_20 = arith.constant 0 : i32
    %rem3A_21 = arith.constant 3 : i32
    %rem3A_22 = arith.remsi %rem3A_20, %rem3A_21 : i32
    %dma_wait3A = arith.constant 0 : i32
    %dma_wait3A_23 = arith.constant 0 : i32
    %dma_wait3A_24 = tpu.memref_slice %arg5[%rem3A_22, %dma_wait3A, %dma_wait3A_23] : memref<3x8x20xi32, #tpu.memory_space<vmem>> -> memref<1x8x20xi32, #tpu.memory_space<vmem>>
    %dma_wait3A_25 = tpu.memref_squeeze %dma_wait3A_24 : memref<1x8x20xi32, #tpu.memory_space<vmem>> -> memref<8x20xi32, #tpu.memory_space<vmem>>
    %dma_wait3A_26 = arith.constant 0 : i32
    %dma_wait3A_27 = tpu.memref_slice %arg3[%add3A_19, %dma_wait3A_26] : memref<16384x20xi32, #tpu.memory_space<hbm>> -> memref<8x20xi32, #tpu.memory_space<hbm>>
    %dma_wait3A_28 = arith.constant 0 : i32
    %dma_wait3A_29 = arith.constant 0 : i32
    %dma_wait3A_30 = tpu.memref_slice %arg5[%rem3A_22, %dma_wait3A_28, %dma_wait3A_29] : memref<3x8x20xi32, #tpu.memory_space<vmem>> -> memref<1x8x20xi32, #tpu.memory_space<vmem>>
    %dma_wait3A_31 = tpu.memref_squeeze %dma_wait3A_30 : memref<1x8x20xi32, #tpu.memory_space<vmem>> -> memref<8x20xi32, #tpu.memory_space<vmem>>
    %dma_wait3A_32 = arith.constant 0 : i32
    %dma_wait3A_33 = tpu.memref_slice %arg3[%add3A_19, %dma_wait3A_32] : memref<16384x20xi32, #tpu.memory_space<hbm>> -> memref<8x20xi32, #tpu.memory_space<hbm>>
    tpu.wait_dma2 semaphore(%arg7 : memref<!tpu.dma_semaphore, #tpu.memory_space<semaphore_mem>>) src(%dma_wait3A_33 : memref<8x20xi32, #tpu.memory_space<hbm>>) dst(%dma_wait3A_31 : memref<8x20xi32, #tpu.memory_space<vmem>>)
    %rem3A_34 = arith.constant 0 : i32
    %rem3A_35 = arith.constant 3 : i32
    %rem3A_36 = arith.remsi %rem3A_34, %rem3A_35 : i32
    %dma_start3A_37 = arith.constant 0 : i32
    %dma_start3A_38 = arith.constant 0 : i32
    %dma_start3A_39 = arith.constant 0 : i32
    %dma_start3A_40 = arith.constant 0 : i32
    %dma_start3A_41 = arith.constant 0 : i32
    %dma_start3A_42 = tpu.memref_slice %arg6[%dma_start3A_38, %dma_start3A_39, %dma_start3A_40, %dma_start3A_41] : memref<3x8x20x128xf32, #tpu.memory_space<vmem>> -> memref<1x1x20x128xf32, #tpu.memory_space<vmem>>
    %dma_start3A_43 = tpu.memref_squeeze %dma_start3A_42 : memref<1x1x20x128xf32, #tpu.memory_space<vmem>> -> memref<20x128xf32, #tpu.memory_space<vmem>>
    %dma_start3A_44 = arith.constant 0 : i32
    %dma_start3A_45 = tpu.memref_slice %arg5[%rem3A_36, %dma_start3A_37, %dma_start3A_44] : memref<3x8x20xi32, #tpu.memory_space<vmem>> -> memref<1x1x20xi32, #tpu.memory_space<vmem>>
    %dma_start3A_46 = tpu.memref_squeeze %dma_start3A_45 : memref<1x1x20xi32, #tpu.memory_space<vmem>> -> memref<20xi32, #tpu.memory_space<vmem>>
    %dma_start3A_47 = arith.constant 0 : i32
    %dma_start3A_48 = arith.constant 0 : i32
    %dma_start3A_49 = tpu.memref_slice %arg2[%dma_start3A_47, %dma_start3A_48] : memref<1000000x128xf32, #tpu.memory_space<hbm>> -> memref<1000000x128xf32, #tpu.memory_space<hbm>>
    tpu.enqueue_indirect_dma source(%dma_start3A_49 : memref<1000000x128xf32, #tpu.memory_space<hbm>>) target(%dma_start3A_43 : memref<20x128xf32, #tpu.memory_space<vmem>>) offsets(%dma_start3A_46 : memref<20xi32, #tpu.memory_space<vmem>>) semaphore(%arg8 : memref<!tpu.dma_semaphore, #tpu.memory_space<semaphore_mem>>)
    %dma_start3A_50 = arith.constant 1 : i32
    %dma_start3A_51 = arith.constant 0 : i32
    %dma_start3A_52 = arith.constant 1 : i32
    %dma_start3A_53 = arith.constant 0 : i32
    %dma_start3A_54 = arith.constant 0 : i32
    %dma_start3A_55 = tpu.memref_slice %arg6[%dma_start3A_51, %dma_start3A_52, %dma_start3A_53, %dma_start3A_54] : memref<3x8x20x128xf32, #tpu.memory_space<vmem>> -> memref<1x1x20x128xf32, #tpu.memory_space<vmem>>
    %dma_start3A_56 = tpu.memref_squeeze %dma_start3A_55 : memref<1x1x20x128xf32, #tpu.memory_space<vmem>> -> memref<20x128xf32, #tpu.memory_space<vmem>>
    %dma_start3A_57 = arith.constant 0 : i32
    %dma_start3A_58 = tpu.memref_slice %arg5[%rem3A_36, %dma_start3A_50, %dma_start3A_57] : memref<3x8x20xi32, #tpu.memory_space<vmem>> -> memref<1x1x20xi32, #tpu.memory_space<vmem>>
    %dma_start3A_59 = tpu.memref_squeeze %dma_start3A_58 : memref<1x1x20xi32, #tpu.memory_space<vmem>> -> memref<20xi32, #tpu.memory_space<vmem>>
    %dma_start3A_60 = arith.constant 0 : i32
    %dma_start3A_61 = arith.constant 0 : i32
    %dma_start3A_62 = tpu.memref_slice %arg2[%dma_start3A_60, %dma_start3A_61] : memref<1000000x128xf32, #tpu.memory_space<hbm>> -> memref<1000000x128xf32, #tpu.memory_space<hbm>>
    tpu.enqueue_indirect_dma source(%dma_start3A_62 : memref<1000000x128xf32, #tpu.memory_space<hbm>>) target(%dma_start3A_56 : memref<20x128xf32, #tpu.memory_space<vmem>>) offsets(%dma_start3A_59 : memref<20xi32, #tpu.memory_space<vmem>>) semaphore(%arg8 : memref<!tpu.dma_semaphore, #tpu.memory_space<semaphore_mem>>)
    %dma_start3A_63 = arith.constant 2 : i32
    %dma_start3A_64 = arith.constant 0 : i32
    %dma_start3A_65 = arith.constant 2 : i32
    %dma_start3A_66 = arith.constant 0 : i32
    %dma_start3A_67 = arith.constant 0 : i32
    %dma_start3A_68 = tpu.memref_slice %arg6[%dma_start3A_64, %dma_start3A_65, %dma_start3A_66, %dma_start3A_67] : memref<3x8x20x128xf32, #tpu.memory_space<vmem>> -> memref<1x1x20x128xf32, #tpu.memory_space<vmem>>
    %dma_start3A_69 = tpu.memref_squeeze %dma_start3A_68 : memref<1x1x20x128xf32, #tpu.memory_space<vmem>> -> memref<20x128xf32, #tpu.memory_space<vmem>>
    %dma_start3A_70 = arith.constant 0 : i32
    %dma_start3A_71 = tpu.memref_slice %arg5[%rem3A_36, %dma_start3A_63, %dma_start3A_70] : memref<3x8x20xi32, #tpu.memory_space<vmem>> -> memref<1x1x20xi32, #tpu.memory_space<vmem>>
    %dma_start3A_72 = tpu.memref_squeeze %dma_start3A_71 : memref<1x1x20xi32, #tpu.memory_space<vmem>> -> memref<20xi32, #tpu.memory_space<vmem>>
    %dma_start3A_73 = arith.constant 0 : i32
    %dma_start3A_74 = arith.constant 0 : i32
    %dma_start3A_75 = tpu.memref_slice %arg2[%dma_start3A_73, %dma_start3A_74] : memref<1000000x128xf32, #tpu.memory_space<hbm>> -> memref<1000000x128xf32, #tpu.memory_space<hbm>>
    tpu.enqueue_indirect_dma source(%dma_start3A_75 : memref<1000000x128xf32, #tpu.memory_space<hbm>>) target(%dma_start3A_69 : memref<20x128xf32, #tpu.memory_space<vmem>>) offsets(%dma_start3A_72 : memref<20xi32, #tpu.memory_space<vmem>>) semaphore(%arg8 : memref<!tpu.dma_semaphore, #tpu.memory_space<semaphore_mem>>)
    %dma_start3A_76 = arith.constant 3 : i32
    %dma_start3A_77 = arith.constant 0 : i32
    %dma_start3A_78 = arith.constant 3 : i32
    %dma_start3A_79 = arith.constant 0 : i32
    %dma_start3A_80 = arith.constant 0 : i32
    %dma_start3A_81 = tpu.memref_slice %arg6[%dma_start3A_77, %dma_start3A_78, %dma_start3A_79, %dma_start3A_80] : memref<3x8x20x128xf32, #tpu.memory_space<vmem>> -> memref<1x1x20x128xf32, #tpu.memory_space<vmem>>
    %dma_start3A_82 = tpu.memref_squeeze %dma_start3A_81 : memref<1x1x20x128xf32, #tpu.memory_space<vmem>> -> memref<20x128xf32, #tpu.memory_space<vmem>>
    %dma_start3A_83 = arith.constant 0 : i32
    %dma_start3A_84 = tpu.memref_slice %arg5[%rem3A_36, %dma_start3A_76, %dma_start3A_83] : memref<3x8x20xi32, #tpu.memory_space<vmem>> -> memref<1x1x20xi32, #tpu.memory_space<vmem>>
    %dma_start3A_85 = tpu.memref_squeeze %dma_start3A_84 : memref<1x1x20xi32, #tpu.memory_space<vmem>> -> memref<20xi32, #tpu.memory_space<vmem>>
    %dma_start3A_86 = arith.constant 0 : i32
    %dma_start3A_87 = arith.constant 0 : i32
    %dma_start3A_88 = tpu.memref_slice %arg2[%dma_start3A_86, %dma_start3A_87] : memref<1000000x128xf32, #tpu.memory_space<hbm>> -> memref<1000000x128xf32, #tpu.memory_space<hbm>>
    tpu.enqueue_indirect_dma source(%dma_start3A_88 : memref<1000000x128xf32, #tpu.memory_space<hbm>>) target(%dma_start3A_82 : memref<20x128xf32, #tpu.memory_space<vmem>>) offsets(%dma_start3A_85 : memref<20xi32, #tpu.memory_space<vmem>>) semaphore(%arg8 : memref<!tpu.dma_semaphore, #tpu.memory_space<semaphore_mem>>)
    %dma_start3A_89 = arith.constant 4 : i32
    %dma_start3A_90 = arith.constant 0 : i32
    %dma_start3A_91 = arith.constant 4 : i32
    %dma_start3A_92 = arith.constant 0 : i32
    %dma_start3A_93 = arith.constant 0 : i32
    %dma_start3A_94 = tpu.memref_slice %arg6[%dma_start3A_90, %dma_start3A_91, %dma_start3A_92, %dma_start3A_93] : memref<3x8x20x128xf32, #tpu.memory_space<vmem>> -> memref<1x1x20x128xf32, #tpu.memory_space<vmem>>
    %dma_start3A_95 = tpu.memref_squeeze %dma_start3A_94 : memref<1x1x20x128xf32, #tpu.memory_space<vmem>> -> memref<20x128xf32, #tpu.memory_space<vmem>>
    %dma_start3A_96 = arith.constant 0 : i32
    %dma_start3A_97 = tpu.memref_slice %arg5[%rem3A_36, %dma_start3A_89, %dma_start3A_96] : memref<3x8x20xi32, #tpu.memory_space<vmem>> -> memref<1x1x20xi32, #tpu.memory_space<vmem>>
    %dma_start3A_98 = tpu.memref_squeeze %dma_start3A_97 : memref<1x1x20xi32, #tpu.memory_space<vmem>> -> memref<20xi32, #tpu.memory_space<vmem>>
    %dma_start3A_99 = arith.constant 0 : i32
    %dma_start3A_100 = arith.constant 0 : i32
    %dma_start3A_101 = tpu.memref_slice %arg2[%dma_start3A_99, %dma_start3A_100] : memref<1000000x128xf32, #tpu.memory_space<hbm>> -> memref<1000000x128xf32, #tpu.memory_space<hbm>>
    tpu.enqueue_indirect_dma source(%dma_start3A_101 : memref<1000000x128xf32, #tpu.memory_space<hbm>>) target(%dma_start3A_95 : memref<20x128xf32, #tpu.memory_space<vmem>>) offsets(%dma_start3A_98 : memref<20xi32, #tpu.memory_space<vmem>>) semaphore(%arg8 : memref<!tpu.dma_semaphore, #tpu.memory_space<semaphore_mem>>)
    %dma_start3A_102 = arith.constant 5 : i32
    %dma_start3A_103 = arith.constant 0 : i32
    %dma_start3A_104 = arith.constant 5 : i32
    %dma_start3A_105 = arith.constant 0 : i32
    %dma_start3A_106 = arith.constant 0 : i32
    %dma_start3A_107 = tpu.memref_slice %arg6[%dma_start3A_103, %dma_start3A_104, %dma_start3A_105, %dma_start3A_106] : memref<3x8x20x128xf32, #tpu.memory_space<vmem>> -> memref<1x1x20x128xf32, #tpu.memory_space<vmem>>
    %dma_start3A_108 = tpu.memref_squeeze %dma_start3A_107 : memref<1x1x20x128xf32, #tpu.memory_space<vmem>> -> memref<20x128xf32, #tpu.memory_space<vmem>>
    %dma_start3A_109 = arith.constant 0 : i32
    %dma_start3A_110 = tpu.memref_slice %arg5[%rem3A_36, %dma_start3A_102, %dma_start3A_109] : memref<3x8x20xi32, #tpu.memory_space<vmem>> -> memref<1x1x20xi32, #tpu.memory_space<vmem>>
    %dma_start3A_111 = tpu.memref_squeeze %dma_start3A_110 : memref<1x1x20xi32, #tpu.memory_space<vmem>> -> memref<20xi32, #tpu.memory_space<vmem>>
    %dma_start3A_112 = arith.constant 0 : i32
    %dma_start3A_113 = arith.constant 0 : i32
    %dma_start3A_114 = tpu.memref_slice %arg2[%dma_start3A_112, %dma_start3A_113] : memref<1000000x128xf32, #tpu.memory_space<hbm>> -> memref<1000000x128xf32, #tpu.memory_space<hbm>>
    tpu.enqueue_indirect_dma source(%dma_start3A_114 : memref<1000000x128xf32, #tpu.memory_space<hbm>>) target(%dma_start3A_108 : memref<20x128xf32, #tpu.memory_space<vmem>>) offsets(%dma_start3A_111 : memref<20xi32, #tpu.memory_space<vmem>>) semaphore(%arg8 : memref<!tpu.dma_semaphore, #tpu.memory_space<semaphore_mem>>)
    %dma_start3A_115 = arith.constant 6 : i32
    %dma_start3A_116 = arith.constant 0 : i32
    %dma_start3A_117 = arith.constant 6 : i32
    %dma_start3A_118 = arith.constant 0 : i32
    %dma_start3A_119 = arith.constant 0 : i32
    %dma_start3A_120 = tpu.memref_slice %arg6[%dma_start3A_116, %dma_start3A_117, %dma_start3A_118, %dma_start3A_119] : memref<3x8x20x128xf32, #tpu.memory_space<vmem>> -> memref<1x1x20x128xf32, #tpu.memory_space<vmem>>
    %dma_start3A_121 = tpu.memref_squeeze %dma_start3A_120 : memref<1x1x20x128xf32, #tpu.memory_space<vmem>> -> memref<20x128xf32, #tpu.memory_space<vmem>>
    %dma_start3A_122 = arith.constant 0 : i32
    %dma_start3A_123 = tpu.memref_slice %arg5[%rem3A_36, %dma_start3A_115, %dma_start3A_122] : memref<3x8x20xi32, #tpu.memory_space<vmem>> -> memref<1x1x20xi32, #tpu.memory_space<vmem>>
    %dma_start3A_124 = tpu.memref_squeeze %dma_start3A_123 : memref<1x1x20xi32, #tpu.memory_space<vmem>> -> memref<20xi32, #tpu.memory_space<vmem>>
    %dma_start3A_125 = arith.constant 0 : i32
    %dma_start3A_126 = arith.constant 0 : i32
    %dma_start3A_127 = tpu.memref_slice %arg2[%dma_start3A_125, %dma_start3A_126] : memref<1000000x128xf32, #tpu.memory_space<hbm>> -> memref<1000000x128xf32, #tpu.memory_space<hbm>>
    tpu.enqueue_indirect_dma source(%dma_start3A_127 : memref<1000000x128xf32, #tpu.memory_space<hbm>>) target(%dma_start3A_121 : memref<20x128xf32, #tpu.memory_space<vmem>>) offsets(%dma_start3A_124 : memref<20xi32, #tpu.memory_space<vmem>>) semaphore(%arg8 : memref<!tpu.dma_semaphore, #tpu.memory_space<semaphore_mem>>)
    %dma_start3A_128 = arith.constant 7 : i32
    %dma_start3A_129 = arith.constant 0 : i32
    %dma_start3A_130 = arith.constant 7 : i32
    %dma_start3A_131 = arith.constant 0 : i32
    %dma_start3A_132 = arith.constant 0 : i32
    %dma_start3A_133 = tpu.memref_slice %arg6[%dma_start3A_129, %dma_start3A_130, %dma_start3A_131, %dma_start3A_132] : memref<3x8x20x128xf32, #tpu.memory_space<vmem>> -> memref<1x1x20x128xf32, #tpu.memory_space<vmem>>
    %dma_start3A_134 = tpu.memref_squeeze %dma_start3A_133 : memref<1x1x20x128xf32, #tpu.memory_space<vmem>> -> memref<20x128xf32, #tpu.memory_space<vmem>>
    %dma_start3A_135 = arith.constant 0 : i32
    %dma_start3A_136 = tpu.memref_slice %arg5[%rem3A_36, %dma_start3A_128, %dma_start3A_135] : memref<3x8x20xi32, #tpu.memory_space<vmem>> -> memref<1x1x20xi32, #tpu.memory_space<vmem>>
    %dma_start3A_137 = tpu.memref_squeeze %dma_start3A_136 : memref<1x1x20xi32, #tpu.memory_space<vmem>> -> memref<20xi32, #tpu.memory_space<vmem>>
    %dma_start3A_138 = arith.constant 0 : i32
    %dma_start3A_139 = arith.constant 0 : i32
    %dma_start3A_140 = tpu.memref_slice %arg2[%dma_start3A_138, %dma_start3A_139] : memref<1000000x128xf32, #tpu.memory_space<hbm>> -> memref<1000000x128xf32, #tpu.memory_space<hbm>>
    tpu.enqueue_indirect_dma source(%dma_start3A_140 : memref<1000000x128xf32, #tpu.memory_space<hbm>>) target(%dma_start3A_134 : memref<20x128xf32, #tpu.memory_space<vmem>>) offsets(%dma_start3A_137 : memref<20xi32, #tpu.memory_space<vmem>>) semaphore(%arg8 : memref<!tpu.dma_semaphore, #tpu.memory_space<semaphore_mem>>)
    %add3A_141 = arith.constant 8 : i32
    %add3A_142 = arith.addi %mul3A_2, %add3A_141 : i32
    %rem3A_143 = arith.constant 1 : i32
    %rem3A_144 = arith.constant 3 : i32
    %rem3A_145 = arith.remsi %rem3A_143, %rem3A_144 : i32
    %dma_start3A_146 = arith.constant 0 : i32
    %dma_start3A_147 = arith.constant 0 : i32
    %dma_start3A_148 = tpu.memref_slice %arg5[%rem3A_145, %dma_start3A_146, %dma_start3A_147] : memref<3x8x20xi32, #tpu.memory_space<vmem>> -> memref<1x8x20xi32, #tpu.memory_space<vmem>>
    %dma_start3A_149 = tpu.memref_squeeze %dma_start3A_148 : memref<1x8x20xi32, #tpu.memory_space<vmem>> -> memref<8x20xi32, #tpu.memory_space<vmem>>
    %dma_start3A_150 = arith.constant 0 : i32
    %dma_start3A_151 = tpu.memref_slice %arg3[%add3A_142, %dma_start3A_150] : memref<16384x20xi32, #tpu.memory_space<hbm>> -> memref<8x20xi32, #tpu.memory_space<hbm>>
    %dma_start3A_152 = arith.constant 0 : i32
    %dma_start3A_153 = arith.constant 0 : i32
    %dma_start3A_154 = tpu.memref_slice %arg5[%rem3A_145, %dma_start3A_152, %dma_start3A_153] : memref<3x8x20xi32, #tpu.memory_space<vmem>> -> memref<1x8x20xi32, #tpu.memory_space<vmem>>
    %dma_start3A_155 = tpu.memref_squeeze %dma_start3A_154 : memref<1x8x20xi32, #tpu.memory_space<vmem>> -> memref<8x20xi32, #tpu.memory_space<vmem>>
    %dma_start3A_156 = arith.constant 0 : i32
    %dma_start3A_157 = tpu.memref_slice %arg3[%add3A_142, %dma_start3A_156] : memref<16384x20xi32, #tpu.memory_space<hbm>> -> memref<8x20xi32, #tpu.memory_space<hbm>>
    tpu.enqueue_dma source(%dma_start3A_157 : memref<8x20xi32, #tpu.memory_space<hbm>>) target(%dma_start3A_155 : memref<8x20xi32, #tpu.memory_space<vmem>>) target_semaphore(%arg7 : memref<!tpu.dma_semaphore, #tpu.memory_space<semaphore_mem>>)
    %add3A_158 = arith.constant 8 : i32
    %add3A_159 = arith.addi %mul3A_2, %add3A_158 : i32
    %rem3A_160 = arith.constant 1 : i32
    %rem3A_161 = arith.constant 3 : i32
    %rem3A_162 = arith.remsi %rem3A_160, %rem3A_161 : i32
    %dma_wait3A_163 = arith.constant 0 : i32
    %dma_wait3A_164 = arith.constant 0 : i32
    %dma_wait3A_165 = tpu.memref_slice %arg5[%rem3A_162, %dma_wait3A_163, %dma_wait3A_164] : memref<3x8x20xi32, #tpu.memory_space<vmem>> -> memref<1x8x20xi32, #tpu.memory_space<vmem>>
    %dma_wait3A_166 = tpu.memref_squeeze %dma_wait3A_165 : memref<1x8x20xi32, #tpu.memory_space<vmem>> -> memref<8x20xi32, #tpu.memory_space<vmem>>
    %dma_wait3A_167 = arith.constant 0 : i32
    %dma_wait3A_168 = tpu.memref_slice %arg3[%add3A_159, %dma_wait3A_167] : memref<16384x20xi32, #tpu.memory_space<hbm>> -> memref<8x20xi32, #tpu.memory_space<hbm>>
    %dma_wait3A_169 = arith.constant 0 : i32
    %dma_wait3A_170 = arith.constant 0 : i32
    %dma_wait3A_171 = tpu.memref_slice %arg5[%rem3A_162, %dma_wait3A_169, %dma_wait3A_170] : memref<3x8x20xi32, #tpu.memory_space<vmem>> -> memref<1x8x20xi32, #tpu.memory_space<vmem>>
    %dma_wait3A_172 = tpu.memref_squeeze %dma_wait3A_171 : memref<1x8x20xi32, #tpu.memory_space<vmem>> -> memref<8x20xi32, #tpu.memory_space<vmem>>
    %dma_wait3A_173 = arith.constant 0 : i32
    %dma_wait3A_174 = tpu.memref_slice %arg3[%add3A_159, %dma_wait3A_173] : memref<16384x20xi32, #tpu.memory_space<hbm>> -> memref<8x20xi32, #tpu.memory_space<hbm>>
    tpu.wait_dma2 semaphore(%arg7 : memref<!tpu.dma_semaphore, #tpu.memory_space<semaphore_mem>>) src(%dma_wait3A_174 : memref<8x20xi32, #tpu.memory_space<hbm>>) dst(%dma_wait3A_172 : memref<8x20xi32, #tpu.memory_space<vmem>>)
    %rem3A_175 = arith.constant 1 : i32
    %rem3A_176 = arith.constant 3 : i32
    %rem3A_177 = arith.remsi %rem3A_175, %rem3A_176 : i32
    %dma_start3A_178 = arith.constant 0 : i32
    %dma_start3A_179 = arith.constant 1 : i32
    %dma_start3A_180 = arith.constant 0 : i32
    %dma_start3A_181 = arith.constant 0 : i32
    %dma_start3A_182 = arith.constant 0 : i32
    %dma_start3A_183 = tpu.memref_slice %arg6[%dma_start3A_179, %dma_start3A_180, %dma_start3A_181, %dma_start3A_182] : memref<3x8x20x128xf32, #tpu.memory_space<vmem>> -> memref<1x1x20x128xf32, #tpu.memory_space<vmem>>
    %dma_start3A_184 = tpu.memref_squeeze %dma_start3A_183 : memref<1x1x20x128xf32, #tpu.memory_space<vmem>> -> memref<20x128xf32, #tpu.memory_space<vmem>>
    %dma_start3A_185 = arith.constant 0 : i32
    %dma_start3A_186 = tpu.memref_slice %arg5[%rem3A_177, %dma_start3A_178, %dma_start3A_185] : memref<3x8x20xi32, #tpu.memory_space<vmem>> -> memref<1x1x20xi32, #tpu.memory_space<vmem>>
    %dma_start3A_187 = tpu.memref_squeeze %dma_start3A_186 : memref<1x1x20xi32, #tpu.memory_space<vmem>> -> memref<20xi32, #tpu.memory_space<vmem>>
    %dma_start3A_188 = arith.constant 0 : i32
    %dma_start3A_189 = arith.constant 0 : i32
    %dma_start3A_190 = tpu.memref_slice %arg2[%dma_start3A_188, %dma_start3A_189] : memref<1000000x128xf32, #tpu.memory_space<hbm>> -> memref<1000000x128xf32, #tpu.memory_space<hbm>>
    tpu.enqueue_indirect_dma source(%dma_start3A_190 : memref<1000000x128xf32, #tpu.memory_space<hbm>>) target(%dma_start3A_184 : memref<20x128xf32, #tpu.memory_space<vmem>>) offsets(%dma_start3A_187 : memref<20xi32, #tpu.memory_space<vmem>>) semaphore(%arg8 : memref<!tpu.dma_semaphore, #tpu.memory_space<semaphore_mem>>)
    %dma_start3A_191 = arith.constant 1 : i32
    %dma_start3A_192 = arith.constant 1 : i32
    %dma_start3A_193 = arith.constant 1 : i32
    %dma_start3A_194 = arith.constant 0 : i32
    %dma_start3A_195 = arith.constant 0 : i32
    %dma_start3A_196 = tpu.memref_slice %arg6[%dma_start3A_192, %dma_start3A_193, %dma_start3A_194, %dma_start3A_195] : memref<3x8x20x128xf32, #tpu.memory_space<vmem>> -> memref<1x1x20x128xf32, #tpu.memory_space<vmem>>
    %dma_start3A_197 = tpu.memref_squeeze %dma_start3A_196 : memref<1x1x20x128xf32, #tpu.memory_space<vmem>> -> memref<20x128xf32, #tpu.memory_space<vmem>>
    %dma_start3A_198 = arith.constant 0 : i32
    %dma_start3A_199 = tpu.memref_slice %arg5[%rem3A_177, %dma_start3A_191, %dma_start3A_198] : memref<3x8x20xi32, #tpu.memory_space<vmem>> -> memref<1x1x20xi32, #tpu.memory_space<vmem>>
    %dma_start3A_200 = tpu.memref_squeeze %dma_start3A_199 : memref<1x1x20xi32, #tpu.memory_space<vmem>> -> memref<20xi32, #tpu.memory_space<vmem>>
    %dma_start3A_201 = arith.constant 0 : i32
    %dma_start3A_202 = arith.constant 0 : i32
    %dma_start3A_203 = tpu.memref_slice %arg2[%dma_start3A_201, %dma_start3A_202] : memref<1000000x128xf32, #tpu.memory_space<hbm>> -> memref<1000000x128xf32, #tpu.memory_space<hbm>>
    tpu.enqueue_indirect_dma source(%dma_start3A_203 : memref<1000000x128xf32, #tpu.memory_space<hbm>>) target(%dma_start3A_197 : memref<20x128xf32, #tpu.memory_space<vmem>>) offsets(%dma_start3A_200 : memref<20xi32, #tpu.memory_space<vmem>>) semaphore(%arg8 : memref<!tpu.dma_semaphore, #tpu.memory_space<semaphore_mem>>)
    %dma_start3A_204 = arith.constant 2 : i32
    %dma_start3A_205 = arith.constant 1 : i32
    %dma_start3A_206 = arith.constant 2 : i32
    %dma_start3A_207 = arith.constant 0 : i32
    %dma_start3A_208 = arith.constant 0 : i32
    %dma_start3A_209 = tpu.memref_slice %arg6[%dma_start3A_205, %dma_start3A_206, %dma_start3A_207, %dma_start3A_208] : memref<3x8x20x128xf32, #tpu.memory_space<vmem>> -> memref<1x1x20x128xf32, #tpu.memory_space<vmem>>
    %dma_start3A_210 = tpu.memref_squeeze %dma_start3A_209 : memref<1x1x20x128xf32, #tpu.memory_space<vmem>> -> memref<20x128xf32, #tpu.memory_space<vmem>>
    %dma_start3A_211 = arith.constant 0 : i32
    %dma_start3A_212 = tpu.memref_slice %arg5[%rem3A_177, %dma_start3A_204, %dma_start3A_211] : memref<3x8x20xi32, #tpu.memory_space<vmem>> -> memref<1x1x20xi32, #tpu.memory_space<vmem>>
    %dma_start3A_213 = tpu.memref_squeeze %dma_start3A_212 : memref<1x1x20xi32, #tpu.memory_space<vmem>> -> memref<20xi32, #tpu.memory_space<vmem>>
    %dma_start3A_214 = arith.constant 0 : i32
    %dma_start3A_215 = arith.constant 0 : i32
    %dma_start3A_216 = tpu.memref_slice %arg2[%dma_start3A_214, %dma_start3A_215] : memref<1000000x128xf32, #tpu.memory_space<hbm>> -> memref<1000000x128xf32, #tpu.memory_space<hbm>>
    tpu.enqueue_indirect_dma source(%dma_start3A_216 : memref<1000000x128xf32, #tpu.memory_space<hbm>>) target(%dma_start3A_210 : memref<20x128xf32, #tpu.memory_space<vmem>>) offsets(%dma_start3A_213 : memref<20xi32, #tpu.memory_space<vmem>>) semaphore(%arg8 : memref<!tpu.dma_semaphore, #tpu.memory_space<semaphore_mem>>)
    %dma_start3A_217 = arith.constant 3 : i32
    %dma_start3A_218 = arith.constant 1 : i32
    %dma_start3A_219 = arith.constant 3 : i32
    %dma_start3A_220 = arith.constant 0 : i32
    %dma_start3A_221 = arith.constant 0 : i32
    %dma_start3A_222 = tpu.memref_slice %arg6[%dma_start3A_218, %dma_start3A_219, %dma_start3A_220, %dma_start3A_221] : memref<3x8x20x128xf32, #tpu.memory_space<vmem>> -> memref<1x1x20x128xf32, #tpu.memory_space<vmem>>
    %dma_start3A_223 = tpu.memref_squeeze %dma_start3A_222 : memref<1x1x20x128xf32, #tpu.memory_space<vmem>> -> memref<20x128xf32, #tpu.memory_space<vmem>>
    %dma_start3A_224 = arith.constant 0 : i32
    %dma_start3A_225 = tpu.memref_slice %arg5[%rem3A_177, %dma_start3A_217, %dma_start3A_224] : memref<3x8x20xi32, #tpu.memory_space<vmem>> -> memref<1x1x20xi32, #tpu.memory_space<vmem>>
    %dma_start3A_226 = tpu.memref_squeeze %dma_start3A_225 : memref<1x1x20xi32, #tpu.memory_space<vmem>> -> memref<20xi32, #tpu.memory_space<vmem>>
    %dma_start3A_227 = arith.constant 0 : i32
    %dma_start3A_228 = arith.constant 0 : i32
    %dma_start3A_229 = tpu.memref_slice %arg2[%dma_start3A_227, %dma_start3A_228] : memref<1000000x128xf32, #tpu.memory_space<hbm>> -> memref<1000000x128xf32, #tpu.memory_space<hbm>>
    tpu.enqueue_indirect_dma source(%dma_start3A_229 : memref<1000000x128xf32, #tpu.memory_space<hbm>>) target(%dma_start3A_223 : memref<20x128xf32, #tpu.memory_space<vmem>>) offsets(%dma_start3A_226 : memref<20xi32, #tpu.memory_space<vmem>>) semaphore(%arg8 : memref<!tpu.dma_semaphore, #tpu.memory_space<semaphore_mem>>)
    %dma_start3A_230 = arith.constant 4 : i32
    %dma_start3A_231 = arith.constant 1 : i32
    %dma_start3A_232 = arith.constant 4 : i32
    %dma_start3A_233 = arith.constant 0 : i32
    %dma_start3A_234 = arith.constant 0 : i32
    %dma_start3A_235 = tpu.memref_slice %arg6[%dma_start3A_231, %dma_start3A_232, %dma_start3A_233, %dma_start3A_234] : memref<3x8x20x128xf32, #tpu.memory_space<vmem>> -> memref<1x1x20x128xf32, #tpu.memory_space<vmem>>
    %dma_start3A_236 = tpu.memref_squeeze %dma_start3A_235 : memref<1x1x20x128xf32, #tpu.memory_space<vmem>> -> memref<20x128xf32, #tpu.memory_space<vmem>>
    %dma_start3A_237 = arith.constant 0 : i32
    %dma_start3A_238 = tpu.memref_slice %arg5[%rem3A_177, %dma_start3A_230, %dma_start3A_237] : memref<3x8x20xi32, #tpu.memory_space<vmem>> -> memref<1x1x20xi32, #tpu.memory_space<vmem>>
    %dma_start3A_239 = tpu.memref_squeeze %dma_start3A_238 : memref<1x1x20xi32, #tpu.memory_space<vmem>> -> memref<20xi32, #tpu.memory_space<vmem>>
    %dma_start3A_240 = arith.constant 0 : i32
    %dma_start3A_241 = arith.constant 0 : i32
    %dma_start3A_242 = tpu.memref_slice %arg2[%dma_start3A_240, %dma_start3A_241] : memref<1000000x128xf32, #tpu.memory_space<hbm>> -> memref<1000000x128xf32, #tpu.memory_space<hbm>>
    tpu.enqueue_indirect_dma source(%dma_start3A_242 : memref<1000000x128xf32, #tpu.memory_space<hbm>>) target(%dma_start3A_236 : memref<20x128xf32, #tpu.memory_space<vmem>>) offsets(%dma_start3A_239 : memref<20xi32, #tpu.memory_space<vmem>>) semaphore(%arg8 : memref<!tpu.dma_semaphore, #tpu.memory_space<semaphore_mem>>)
    %dma_start3A_243 = arith.constant 5 : i32
    %dma_start3A_244 = arith.constant 1 : i32
    %dma_start3A_245 = arith.constant 5 : i32
    %dma_start3A_246 = arith.constant 0 : i32
    %dma_start3A_247 = arith.constant 0 : i32
    %dma_start3A_248 = tpu.memref_slice %arg6[%dma_start3A_244, %dma_start3A_245, %dma_start3A_246, %dma_start3A_247] : memref<3x8x20x128xf32, #tpu.memory_space<vmem>> -> memref<1x1x20x128xf32, #tpu.memory_space<vmem>>
    %dma_start3A_249 = tpu.memref_squeeze %dma_start3A_248 : memref<1x1x20x128xf32, #tpu.memory_space<vmem>> -> memref<20x128xf32, #tpu.memory_space<vmem>>
    %dma_start3A_250 = arith.constant 0 : i32
    %dma_start3A_251 = tpu.memref_slice %arg5[%rem3A_177, %dma_start3A_243, %dma_start3A_250] : memref<3x8x20xi32, #tpu.memory_space<vmem>> -> memref<1x1x20xi32, #tpu.memory_space<vmem>>
    %dma_start3A_252 = tpu.memref_squeeze %dma_start3A_251 : memref<1x1x20xi32, #tpu.memory_space<vmem>> -> memref<20xi32, #tpu.memory_space<vmem>>
    %dma_start3A_253 = arith.constant 0 : i32
    %dma_start3A_254 = arith.constant 0 : i32
    %dma_start3A_255 = tpu.memref_slice %arg2[%dma_start3A_253, %dma_start3A_254] : memref<1000000x128xf32, #tpu.memory_space<hbm>> -> memref<1000000x128xf32, #tpu.memory_space<hbm>>
    tpu.enqueue_indirect_dma source(%dma_start3A_255 : memref<1000000x128xf32, #tpu.memory_space<hbm>>) target(%dma_start3A_249 : memref<20x128xf32, #tpu.memory_space<vmem>>) offsets(%dma_start3A_252 : memref<20xi32, #tpu.memory_space<vmem>>) semaphore(%arg8 : memref<!tpu.dma_semaphore, #tpu.memory_space<semaphore_mem>>)
    %dma_start3A_256 = arith.constant 6 : i32
    %dma_start3A_257 = arith.constant 1 : i32
    %dma_start3A_258 = arith.constant 6 : i32
    %dma_start3A_259 = arith.constant 0 : i32
    %dma_start3A_260 = arith.constant 0 : i32
    %dma_start3A_261 = tpu.memref_slice %arg6[%dma_start3A_257, %dma_start3A_258, %dma_start3A_259, %dma_start3A_260] : memref<3x8x20x128xf32, #tpu.memory_space<vmem>> -> memref<1x1x20x128xf32, #tpu.memory_space<vmem>>
    %dma_start3A_262 = tpu.memref_squeeze %dma_start3A_261 : memref<1x1x20x128xf32, #tpu.memory_space<vmem>> -> memref<20x128xf32, #tpu.memory_space<vmem>>
    %dma_start3A_263 = arith.constant 0 : i32
    %dma_start3A_264 = tpu.memref_slice %arg5[%rem3A_177, %dma_start3A_256, %dma_start3A_263] : memref<3x8x20xi32, #tpu.memory_space<vmem>> -> memref<1x1x20xi32, #tpu.memory_space<vmem>>
    %dma_start3A_265 = tpu.memref_squeeze %dma_start3A_264 : memref<1x1x20xi32, #tpu.memory_space<vmem>> -> memref<20xi32, #tpu.memory_space<vmem>>
    %dma_start3A_266 = arith.constant 0 : i32
    %dma_start3A_267 = arith.constant 0 : i32
    %dma_start3A_268 = tpu.memref_slice %arg2[%dma_start3A_266, %dma_start3A_267] : memref<1000000x128xf32, #tpu.memory_space<hbm>> -> memref<1000000x128xf32, #tpu.memory_space<hbm>>
    tpu.enqueue_indirect_dma source(%dma_start3A_268 : memref<1000000x128xf32, #tpu.memory_space<hbm>>) target(%dma_start3A_262 : memref<20x128xf32, #tpu.memory_space<vmem>>) offsets(%dma_start3A_265 : memref<20xi32, #tpu.memory_space<vmem>>) semaphore(%arg8 : memref<!tpu.dma_semaphore, #tpu.memory_space<semaphore_mem>>)
    %dma_start3A_269 = arith.constant 7 : i32
    %dma_start3A_270 = arith.constant 1 : i32
    %dma_start3A_271 = arith.constant 7 : i32
    %dma_start3A_272 = arith.constant 0 : i32
    %dma_start3A_273 = arith.constant 0 : i32
    %dma_start3A_274 = tpu.memref_slice %arg6[%dma_start3A_270, %dma_start3A_271, %dma_start3A_272, %dma_start3A_273] : memref<3x8x20x128xf32, #tpu.memory_space<vmem>> -> memref<1x1x20x128xf32, #tpu.memory_space<vmem>>
    %dma_start3A_275 = tpu.memref_squeeze %dma_start3A_274 : memref<1x1x20x128xf32, #tpu.memory_space<vmem>> -> memref<20x128xf32, #tpu.memory_space<vmem>>
    %dma_start3A_276 = arith.constant 0 : i32
    %dma_start3A_277 = tpu.memref_slice %arg5[%rem3A_177, %dma_start3A_269, %dma_start3A_276] : memref<3x8x20xi32, #tpu.memory_space<vmem>> -> memref<1x1x20xi32, #tpu.memory_space<vmem>>
    %dma_start3A_278 = tpu.memref_squeeze %dma_start3A_277 : memref<1x1x20xi32, #tpu.memory_space<vmem>> -> memref<20xi32, #tpu.memory_space<vmem>>
    %dma_start3A_279 = arith.constant 0 : i32
    %dma_start3A_280 = arith.constant 0 : i32
    %dma_start3A_281 = tpu.memref_slice %arg2[%dma_start3A_279, %dma_start3A_280] : memref<1000000x128xf32, #tpu.memory_space<hbm>> -> memref<1000000x128xf32, #tpu.memory_space<hbm>>
    tpu.enqueue_indirect_dma source(%dma_start3A_281 : memref<1000000x128xf32, #tpu.memory_space<hbm>>) target(%dma_start3A_275 : memref<20x128xf32, #tpu.memory_space<vmem>>) offsets(%dma_start3A_278 : memref<20xi32, #tpu.memory_space<vmem>>) semaphore(%arg8 : memref<!tpu.dma_semaphore, #tpu.memory_space<semaphore_mem>>)
    %add3A_282 = arith.constant 16 : i32
    %add3A_283 = arith.addi %mul3A_2, %add3A_282 : i32
    %rem3A_284 = arith.constant 2 : i32
    %rem3A_285 = arith.constant 3 : i32
    %rem3A_286 = arith.remsi %rem3A_284, %rem3A_285 : i32
    %dma_start3A_287 = arith.constant 0 : i32
    %dma_start3A_288 = arith.constant 0 : i32
    %dma_start3A_289 = tpu.memref_slice %arg5[%rem3A_286, %dma_start3A_287, %dma_start3A_288] : memref<3x8x20xi32, #tpu.memory_space<vmem>> -> memref<1x8x20xi32, #tpu.memory_space<vmem>>
    %dma_start3A_290 = tpu.memref_squeeze %dma_start3A_289 : memref<1x8x20xi32, #tpu.memory_space<vmem>> -> memref<8x20xi32, #tpu.memory_space<vmem>>
    %dma_start3A_291 = arith.constant 0 : i32
    %dma_start3A_292 = tpu.memref_slice %arg3[%add3A_283, %dma_start3A_291] : memref<16384x20xi32, #tpu.memory_space<hbm>> -> memref<8x20xi32, #tpu.memory_space<hbm>>
    %dma_start3A_293 = arith.constant 0 : i32
    %dma_start3A_294 = arith.constant 0 : i32
    %dma_start3A_295 = tpu.memref_slice %arg5[%rem3A_286, %dma_start3A_293, %dma_start3A_294] : memref<3x8x20xi32, #tpu.memory_space<vmem>> -> memref<1x8x20xi32, #tpu.memory_space<vmem>>
    %dma_start3A_296 = tpu.memref_squeeze %dma_start3A_295 : memref<1x8x20xi32, #tpu.memory_space<vmem>> -> memref<8x20xi32, #tpu.memory_space<vmem>>
    %dma_start3A_297 = arith.constant 0 : i32
    %dma_start3A_298 = tpu.memref_slice %arg3[%add3A_283, %dma_start3A_297] : memref<16384x20xi32, #tpu.memory_space<hbm>> -> memref<8x20xi32, #tpu.memory_space<hbm>>
    tpu.enqueue_dma source(%dma_start3A_298 : memref<8x20xi32, #tpu.memory_space<hbm>>) target(%dma_start3A_296 : memref<8x20xi32, #tpu.memory_space<vmem>>) target_semaphore(%arg7 : memref<!tpu.dma_semaphore, #tpu.memory_space<semaphore_mem>>)
    %scan3A = arith.constant 0 : i32
    %scan3A_299 = arith.constant 0 : i32
    %scan3A_300 = arith.constant 64 : i32
    %scan3A_301 = arith.addi %scan3A_299, %scan3A_300 : i32
    %scan3A_302 = arith.constant 1 : i32
    scf.for %scan3A_361 = %scan3A_299 to %scan3A_301 step %scan3A_302  : i32 {
      %rem3A_362 = arith.constant 3 : i32
      %rem3A_363 = arith.remsi %scan3A_361, %rem3A_362 : i32
      %add3A_364 = arith.constant 2 : i32
      %add3A_365 = arith.addi %scan3A_361, %add3A_364 : i32
      %lt3A = arith.constant 64 : i32
      %lt3A_366 = arith.cmpi slt, %add3A_365, %lt3A : i32
      %convert_element_type3A = arith.extui %lt3A_366 : i1 to i32
      %cond3A = arith.constant 0 : i32
      %cond3A_367 = arith.cmpi ne, %convert_element_type3A, %cond3A : i32
      scf.if %cond3A_367 {
        %ge3A = arith.constant 1 : i32
        %ge3A_492 = arith.cmpi sge, %scan3A_361, %ge3A : i32
        %convert_element_type3A_493 = arith.extui %ge3A_492 : i1 to i32
        %cond3A_494 = arith.constant 0 : i32
        %cond3A_495 = arith.cmpi ne, %convert_element_type3A_493, %cond3A_494 : i32
        scf.if %cond3A_495 {
          %sub3A = arith.constant 1 : i32
          %sub3A_613 = arith.subi %scan3A_361, %sub3A : i32
          %rem3A_614 = arith.constant 3 : i32
          %rem3A_615 = arith.remsi %sub3A_613, %rem3A_614 : i32
          %sub3A_616 = arith.constant 1 : i32
          %sub3A_617 = arith.subi %scan3A_361, %sub3A_616 : i32
          %mul3A_618 = arith.constant 8 : i32
          %mul3A_619 = arith.muli %sub3A_617, %mul3A_618 : i32
          %add3A_620 = arith.addi %mul3A_2, %mul3A_619 : i32
          %dma_wait3A_621 = arith.constant 0 : i32
          %dma_wait3A_622 = arith.constant 0 : i32
          %dma_wait3A_623 = arith.constant 0 : i32
          %dma_wait3A_624 = tpu.memref_slice %arg6[%rem3A_615, %dma_wait3A_621, %dma_wait3A_622, %dma_wait3A_623] : memref<3x8x20x128xf32, #tpu.memory_space<vmem>> -> memref<1x8x20x128xf32, #tpu.memory_space<vmem>>
          %dma_wait3A_625 = tpu.memref_squeeze %dma_wait3A_624 : memref<1x8x20x128xf32, #tpu.memory_space<vmem>> -> memref<8x20x128xf32, #tpu.memory_space<vmem>>
          %dma_wait3A_626 = arith.constant 0 : i32
          %dma_wait3A_627 = arith.constant 0 : i32
          %dma_wait3A_628 = tpu.memref_slice %arg4[%add3A_620, %dma_wait3A_626, %dma_wait3A_627] : memref<16384x20x128xf32, #tpu.memory_space<hbm>> -> memref<8x20x128xf32, #tpu.memory_space<hbm>>
          %dma_wait3A_629 = arith.constant 0 : i32
          %dma_wait3A_630 = arith.constant 0 : i32
          %dma_wait3A_631 = tpu.memref_slice %arg4[%add3A_620, %dma_wait3A_629, %dma_wait3A_630] : memref<16384x20x128xf32, #tpu.memory_space<hbm>> -> memref<8x20x128xf32, #tpu.memory_space<hbm>>
          %dma_wait3A_632 = arith.constant 0 : i32
          %dma_wait3A_633 = arith.constant 0 : i32
          %dma_wait3A_634 = arith.constant 0 : i32
          %dma_wait3A_635 = tpu.memref_slice %arg6[%rem3A_615, %dma_wait3A_632, %dma_wait3A_633, %dma_wait3A_634] : memref<3x8x20x128xf32, #tpu.memory_space<vmem>> -> memref<1x8x20x128xf32, #tpu.memory_space<vmem>>
          %dma_wait3A_636 = tpu.memref_squeeze %dma_wait3A_635 : memref<1x8x20x128xf32, #tpu.memory_space<vmem>> -> memref<8x20x128xf32, #tpu.memory_space<vmem>>
          tpu.wait_dma2 semaphore(%arg9 : memref<!tpu.dma_semaphore, #tpu.memory_space<semaphore_mem>>) src(%dma_wait3A_636 : memref<8x20x128xf32, #tpu.memory_space<vmem>>) dst(%dma_wait3A_631 : memref<8x20x128xf32, #tpu.memory_space<hbm>>)
        } else {
        }
        %mul3A_496 = arith.constant 8 : i32
        %mul3A_497 = arith.muli %add3A_365, %mul3A_496 : i32
        %add3A_498 = arith.addi %mul3A_2, %mul3A_497 : i32
        %rem3A_499 = arith.constant 3 : i32
        %rem3A_500 = arith.remsi %add3A_365, %rem3A_499 : i32
        %dma_wait3A_501 = arith.constant 0 : i32
        %dma_wait3A_502 = arith.constant 0 : i32
        %dma_wait3A_503 = tpu.memref_slice %arg5[%rem3A_500, %dma_wait3A_501, %dma_wait3A_502] : memref<3x8x20xi32, #tpu.memory_space<vmem>> -> memref<1x8x20xi32, #tpu.memory_space<vmem>>
        %dma_wait3A_504 = tpu.memref_squeeze %dma_wait3A_503 : memref<1x8x20xi32, #tpu.memory_space<vmem>> -> memref<8x20xi32, #tpu.memory_space<vmem>>
        %dma_wait3A_505 = arith.constant 0 : i32
        %dma_wait3A_506 = tpu.memref_slice %arg3[%add3A_498, %dma_wait3A_505] : memref<16384x20xi32, #tpu.memory_space<hbm>> -> memref<8x20xi32, #tpu.memory_space<hbm>>
        %dma_wait3A_507 = arith.constant 0 : i32
        %dma_wait3A_508 = arith.constant 0 : i32
        %dma_wait3A_509 = tpu.memref_slice %arg5[%rem3A_500, %dma_wait3A_507, %dma_wait3A_508] : memref<3x8x20xi32, #tpu.memory_space<vmem>> -> memref<1x8x20xi32, #tpu.memory_space<vmem>>
        %dma_wait3A_510 = tpu.memref_squeeze %dma_wait3A_509 : memref<1x8x20xi32, #tpu.memory_space<vmem>> -> memref<8x20xi32, #tpu.memory_space<vmem>>
        %dma_wait3A_511 = arith.constant 0 : i32
        %dma_wait3A_512 = tpu.memref_slice %arg3[%add3A_498, %dma_wait3A_511] : memref<16384x20xi32, #tpu.memory_space<hbm>> -> memref<8x20xi32, #tpu.memory_space<hbm>>
        tpu.wait_dma2 semaphore(%arg7 : memref<!tpu.dma_semaphore, #tpu.memory_space<semaphore_mem>>) src(%dma_wait3A_512 : memref<8x20xi32, #tpu.memory_space<hbm>>) dst(%dma_wait3A_510 : memref<8x20xi32, #tpu.memory_space<vmem>>)
        %rem3A_513 = arith.constant 3 : i32
        %rem3A_514 = arith.remsi %add3A_365, %rem3A_513 : i32
        %rem3A_515 = arith.constant 3 : i32
        %rem3A_516 = arith.remsi %add3A_365, %rem3A_515 : i32
        %dma_start3A_517 = arith.constant 0 : i32
        %dma_start3A_518 = arith.constant 0 : i32
        %dma_start3A_519 = arith.constant 0 : i32
        %dma_start3A_520 = arith.constant 0 : i32
        %dma_start3A_521 = tpu.memref_slice %arg6[%rem3A_514, %dma_start3A_518, %dma_start3A_519, %dma_start3A_520] : memref<3x8x20x128xf32, #tpu.memory_space<vmem>> -> memref<1x1x20x128xf32, #tpu.memory_space<vmem>>
        %dma_start3A_522 = tpu.memref_squeeze %dma_start3A_521 : memref<1x1x20x128xf32, #tpu.memory_space<vmem>> -> memref<20x128xf32, #tpu.memory_space<vmem>>
        %dma_start3A_523 = arith.constant 0 : i32
        %dma_start3A_524 = tpu.memref_slice %arg5[%rem3A_516, %dma_start3A_517, %dma_start3A_523] : memref<3x8x20xi32, #tpu.memory_space<vmem>> -> memref<1x1x20xi32, #tpu.memory_space<vmem>>
        %dma_start3A_525 = tpu.memref_squeeze %dma_start3A_524 : memref<1x1x20xi32, #tpu.memory_space<vmem>> -> memref<20xi32, #tpu.memory_space<vmem>>
        %dma_start3A_526 = arith.constant 0 : i32
        %dma_start3A_527 = arith.constant 0 : i32
        %dma_start3A_528 = tpu.memref_slice %arg2[%dma_start3A_526, %dma_start3A_527] : memref<1000000x128xf32, #tpu.memory_space<hbm>> -> memref<1000000x128xf32, #tpu.memory_space<hbm>>
        tpu.enqueue_indirect_dma source(%dma_start3A_528 : memref<1000000x128xf32, #tpu.memory_space<hbm>>) target(%dma_start3A_522 : memref<20x128xf32, #tpu.memory_space<vmem>>) offsets(%dma_start3A_525 : memref<20xi32, #tpu.memory_space<vmem>>) semaphore(%arg8 : memref<!tpu.dma_semaphore, #tpu.memory_space<semaphore_mem>>)
        %dma_start3A_529 = arith.constant 1 : i32
        %dma_start3A_530 = arith.constant 1 : i32
        %dma_start3A_531 = arith.constant 0 : i32
        %dma_start3A_532 = arith.constant 0 : i32
        %dma_start3A_533 = tpu.memref_slice %arg6[%rem3A_514, %dma_start3A_530, %dma_start3A_531, %dma_start3A_532] : memref<3x8x20x128xf32, #tpu.memory_space<vmem>> -> memref<1x1x20x128xf32, #tpu.memory_space<vmem>>
        %dma_start3A_534 = tpu.memref_squeeze %dma_start3A_533 : memref<1x1x20x128xf32, #tpu.memory_space<vmem>> -> memref<20x128xf32, #tpu.memory_space<vmem>>
        %dma_start3A_535 = arith.constant 0 : i32
        %dma_start3A_536 = tpu.memref_slice %arg5[%rem3A_516, %dma_start3A_529, %dma_start3A_535] : memref<3x8x20xi32, #tpu.memory_space<vmem>> -> memref<1x1x20xi32, #tpu.memory_space<vmem>>
        %dma_start3A_537 = tpu.memref_squeeze %dma_start3A_536 : memref<1x1x20xi32, #tpu.memory_space<vmem>> -> memref<20xi32, #tpu.memory_space<vmem>>
        %dma_start3A_538 = arith.constant 0 : i32
        %dma_start3A_539 = arith.constant 0 : i32
        %dma_start3A_540 = tpu.memref_slice %arg2[%dma_start3A_538, %dma_start3A_539] : memref<1000000x128xf32, #tpu.memory_space<hbm>> -> memref<1000000x128xf32, #tpu.memory_space<hbm>>
        tpu.enqueue_indirect_dma source(%dma_start3A_540 : memref<1000000x128xf32, #tpu.memory_space<hbm>>) target(%dma_start3A_534 : memref<20x128xf32, #tpu.memory_space<vmem>>) offsets(%dma_start3A_537 : memref<20xi32, #tpu.memory_space<vmem>>) semaphore(%arg8 : memref<!tpu.dma_semaphore, #tpu.memory_space<semaphore_mem>>)
        %dma_start3A_541 = arith.constant 2 : i32
        %dma_start3A_542 = arith.constant 2 : i32
        %dma_start3A_543 = arith.constant 0 : i32
        %dma_start3A_544 = arith.constant 0 : i32
        %dma_start3A_545 = tpu.memref_slice %arg6[%rem3A_514, %dma_start3A_542, %dma_start3A_543, %dma_start3A_544] : memref<3x8x20x128xf32, #tpu.memory_space<vmem>> -> memref<1x1x20x128xf32, #tpu.memory_space<vmem>>
        %dma_start3A_546 = tpu.memref_squeeze %dma_start3A_545 : memref<1x1x20x128xf32, #tpu.memory_space<vmem>> -> memref<20x128xf32, #tpu.memory_space<vmem>>
        %dma_start3A_547 = arith.constant 0 : i32
        %dma_start3A_548 = tpu.memref_slice %arg5[%rem3A_516, %dma_start3A_541, %dma_start3A_547] : memref<3x8x20xi32, #tpu.memory_space<vmem>> -> memref<1x1x20xi32, #tpu.memory_space<vmem>>
        %dma_start3A_549 = tpu.memref_squeeze %dma_start3A_548 : memref<1x1x20xi32, #tpu.memory_space<vmem>> -> memref<20xi32, #tpu.memory_space<vmem>>
        %dma_start3A_550 = arith.constant 0 : i32
        %dma_start3A_551 = arith.constant 0 : i32
        %dma_start3A_552 = tpu.memref_slice %arg2[%dma_start3A_550, %dma_start3A_551] : memref<1000000x128xf32, #tpu.memory_space<hbm>> -> memref<1000000x128xf32, #tpu.memory_space<hbm>>
        tpu.enqueue_indirect_dma source(%dma_start3A_552 : memref<1000000x128xf32, #tpu.memory_space<hbm>>) target(%dma_start3A_546 : memref<20x128xf32, #tpu.memory_space<vmem>>) offsets(%dma_start3A_549 : memref<20xi32, #tpu.memory_space<vmem>>) semaphore(%arg8 : memref<!tpu.dma_semaphore, #tpu.memory_space<semaphore_mem>>)
        %dma_start3A_553 = arith.constant 3 : i32
        %dma_start3A_554 = arith.constant 3 : i32
        %dma_start3A_555 = arith.constant 0 : i32
        %dma_start3A_556 = arith.constant 0 : i32
        %dma_start3A_557 = tpu.memref_slice %arg6[%rem3A_514, %dma_start3A_554, %dma_start3A_555, %dma_start3A_556] : memref<3x8x20x128xf32, #tpu.memory_space<vmem>> -> memref<1x1x20x128xf32, #tpu.memory_space<vmem>>
        %dma_start3A_558 = tpu.memref_squeeze %dma_start3A_557 : memref<1x1x20x128xf32, #tpu.memory_space<vmem>> -> memref<20x128xf32, #tpu.memory_space<vmem>>
        %dma_start3A_559 = arith.constant 0 : i32
        %dma_start3A_560 = tpu.memref_slice %arg5[%rem3A_516, %dma_start3A_553, %dma_start3A_559] : memref<3x8x20xi32, #tpu.memory_space<vmem>> -> memref<1x1x20xi32, #tpu.memory_space<vmem>>
        %dma_start3A_561 = tpu.memref_squeeze %dma_start3A_560 : memref<1x1x20xi32, #tpu.memory_space<vmem>> -> memref<20xi32, #tpu.memory_space<vmem>>
        %dma_start3A_562 = arith.constant 0 : i32
        %dma_start3A_563 = arith.constant 0 : i32
        %dma_start3A_564 = tpu.memref_slice %arg2[%dma_start3A_562, %dma_start3A_563] : memref<1000000x128xf32, #tpu.memory_space<hbm>> -> memref<1000000x128xf32, #tpu.memory_space<hbm>>
        tpu.enqueue_indirect_dma source(%dma_start3A_564 : memref<1000000x128xf32, #tpu.memory_space<hbm>>) target(%dma_start3A_558 : memref<20x128xf32, #tpu.memory_space<vmem>>) offsets(%dma_start3A_561 : memref<20xi32, #tpu.memory_space<vmem>>) semaphore(%arg8 : memref<!tpu.dma_semaphore, #tpu.memory_space<semaphore_mem>>)
        %dma_start3A_565 = arith.constant 4 : i32
        %dma_start3A_566 = arith.constant 4 : i32
        %dma_start3A_567 = arith.constant 0 : i32
        %dma_start3A_568 = arith.constant 0 : i32
        %dma_start3A_569 = tpu.memref_slice %arg6[%rem3A_514, %dma_start3A_566, %dma_start3A_567, %dma_start3A_568] : memref<3x8x20x128xf32, #tpu.memory_space<vmem>> -> memref<1x1x20x128xf32, #tpu.memory_space<vmem>>
        %dma_start3A_570 = tpu.memref_squeeze %dma_start3A_569 : memref<1x1x20x128xf32, #tpu.memory_space<vmem>> -> memref<20x128xf32, #tpu.memory_space<vmem>>
        %dma_start3A_571 = arith.constant 0 : i32
        %dma_start3A_572 = tpu.memref_slice %arg5[%rem3A_516, %dma_start3A_565, %dma_start3A_571] : memref<3x8x20xi32, #tpu.memory_space<vmem>> -> memref<1x1x20xi32, #tpu.memory_space<vmem>>
        %dma_start3A_573 = tpu.memref_squeeze %dma_start3A_572 : memref<1x1x20xi32, #tpu.memory_space<vmem>> -> memref<20xi32, #tpu.memory_space<vmem>>
        %dma_start3A_574 = arith.constant 0 : i32
        %dma_start3A_575 = arith.constant 0 : i32
        %dma_start3A_576 = tpu.memref_slice %arg2[%dma_start3A_574, %dma_start3A_575] : memref<1000000x128xf32, #tpu.memory_space<hbm>> -> memref<1000000x128xf32, #tpu.memory_space<hbm>>
        tpu.enqueue_indirect_dma source(%dma_start3A_576 : memref<1000000x128xf32, #tpu.memory_space<hbm>>) target(%dma_start3A_570 : memref<20x128xf32, #tpu.memory_space<vmem>>) offsets(%dma_start3A_573 : memref<20xi32, #tpu.memory_space<vmem>>) semaphore(%arg8 : memref<!tpu.dma_semaphore, #tpu.memory_space<semaphore_mem>>)
        %dma_start3A_577 = arith.constant 5 : i32
        %dma_start3A_578 = arith.constant 5 : i32
        %dma_start3A_579 = arith.constant 0 : i32
        %dma_start3A_580 = arith.constant 0 : i32
        %dma_start3A_581 = tpu.memref_slice %arg6[%rem3A_514, %dma_start3A_578, %dma_start3A_579, %dma_start3A_580] : memref<3x8x20x128xf32, #tpu.memory_space<vmem>> -> memref<1x1x20x128xf32, #tpu.memory_space<vmem>>
        %dma_start3A_582 = tpu.memref_squeeze %dma_start3A_581 : memref<1x1x20x128xf32, #tpu.memory_space<vmem>> -> memref<20x128xf32, #tpu.memory_space<vmem>>
        %dma_start3A_583 = arith.constant 0 : i32
        %dma_start3A_584 = tpu.memref_slice %arg5[%rem3A_516, %dma_start3A_577, %dma_start3A_583] : memref<3x8x20xi32, #tpu.memory_space<vmem>> -> memref<1x1x20xi32, #tpu.memory_space<vmem>>
        %dma_start3A_585 = tpu.memref_squeeze %dma_start3A_584 : memref<1x1x20xi32, #tpu.memory_space<vmem>> -> memref<20xi32, #tpu.memory_space<vmem>>
        %dma_start3A_586 = arith.constant 0 : i32
        %dma_start3A_587 = arith.constant 0 : i32
        %dma_start3A_588 = tpu.memref_slice %arg2[%dma_start3A_586, %dma_start3A_587] : memref<1000000x128xf32, #tpu.memory_space<hbm>> -> memref<1000000x128xf32, #tpu.memory_space<hbm>>
        tpu.enqueue_indirect_dma source(%dma_start3A_588 : memref<1000000x128xf32, #tpu.memory_space<hbm>>) target(%dma_start3A_582 : memref<20x128xf32, #tpu.memory_space<vmem>>) offsets(%dma_start3A_585 : memref<20xi32, #tpu.memory_space<vmem>>) semaphore(%arg8 : memref<!tpu.dma_semaphore, #tpu.memory_space<semaphore_mem>>)
        %dma_start3A_589 = arith.constant 6 : i32
        %dma_start3A_590 = arith.constant 6 : i32
        %dma_start3A_591 = arith.constant 0 : i32
        %dma_start3A_592 = arith.constant 0 : i32
        %dma_start3A_593 = tpu.memref_slice %arg6[%rem3A_514, %dma_start3A_590, %dma_start3A_591, %dma_start3A_592] : memref<3x8x20x128xf32, #tpu.memory_space<vmem>> -> memref<1x1x20x128xf32, #tpu.memory_space<vmem>>
        %dma_start3A_594 = tpu.memref_squeeze %dma_start3A_593 : memref<1x1x20x128xf32, #tpu.memory_space<vmem>> -> memref<20x128xf32, #tpu.memory_space<vmem>>
        %dma_start3A_595 = arith.constant 0 : i32
        %dma_start3A_596 = tpu.memref_slice %arg5[%rem3A_516, %dma_start3A_589, %dma_start3A_595] : memref<3x8x20xi32, #tpu.memory_space<vmem>> -> memref<1x1x20xi32, #tpu.memory_space<vmem>>
        %dma_start3A_597 = tpu.memref_squeeze %dma_start3A_596 : memref<1x1x20xi32, #tpu.memory_space<vmem>> -> memref<20xi32, #tpu.memory_space<vmem>>
        %dma_start3A_598 = arith.constant 0 : i32
        %dma_start3A_599 = arith.constant 0 : i32
        %dma_start3A_600 = tpu.memref_slice %arg2[%dma_start3A_598, %dma_start3A_599] : memref<1000000x128xf32, #tpu.memory_space<hbm>> -> memref<1000000x128xf32, #tpu.memory_space<hbm>>
        tpu.enqueue_indirect_dma source(%dma_start3A_600 : memref<1000000x128xf32, #tpu.memory_space<hbm>>) target(%dma_start3A_594 : memref<20x128xf32, #tpu.memory_space<vmem>>) offsets(%dma_start3A_597 : memref<20xi32, #tpu.memory_space<vmem>>) semaphore(%arg8 : memref<!tpu.dma_semaphore, #tpu.memory_space<semaphore_mem>>)
        %dma_start3A_601 = arith.constant 7 : i32
        %dma_start3A_602 = arith.constant 7 : i32
        %dma_start3A_603 = arith.constant 0 : i32
        %dma_start3A_604 = arith.constant 0 : i32
        %dma_start3A_605 = tpu.memref_slice %arg6[%rem3A_514, %dma_start3A_602, %dma_start3A_603, %dma_start3A_604] : memref<3x8x20x128xf32, #tpu.memory_space<vmem>> -> memref<1x1x20x128xf32, #tpu.memory_space<vmem>>
        %dma_start3A_606 = tpu.memref_squeeze %dma_start3A_605 : memref<1x1x20x128xf32, #tpu.memory_space<vmem>> -> memref<20x128xf32, #tpu.memory_space<vmem>>
        %dma_start3A_607 = arith.constant 0 : i32
        %dma_start3A_608 = tpu.memref_slice %arg5[%rem3A_516, %dma_start3A_601, %dma_start3A_607] : memref<3x8x20xi32, #tpu.memory_space<vmem>> -> memref<1x1x20xi32, #tpu.memory_space<vmem>>
        %dma_start3A_609 = tpu.memref_squeeze %dma_start3A_608 : memref<1x1x20xi32, #tpu.memory_space<vmem>> -> memref<20xi32, #tpu.memory_space<vmem>>
        %dma_start3A_610 = arith.constant 0 : i32
        %dma_start3A_611 = arith.constant 0 : i32
        %dma_start3A_612 = tpu.memref_slice %arg2[%dma_start3A_610, %dma_start3A_611] : memref<1000000x128xf32, #tpu.memory_space<hbm>> -> memref<1000000x128xf32, #tpu.memory_space<hbm>>
        tpu.enqueue_indirect_dma source(%dma_start3A_612 : memref<1000000x128xf32, #tpu.memory_space<hbm>>) target(%dma_start3A_606 : memref<20x128xf32, #tpu.memory_space<vmem>>) offsets(%dma_start3A_609 : memref<20xi32, #tpu.memory_space<vmem>>) semaphore(%arg8 : memref<!tpu.dma_semaphore, #tpu.memory_space<semaphore_mem>>)
      } else {
      }
      %add3A_368 = arith.constant 1 : i32
      %add3A_369 = arith.addi %add3A_365, %add3A_368 : i32
      %lt3A_370 = arith.constant 64 : i32
      %lt3A_371 = arith.cmpi slt, %add3A_369, %lt3A_370 : i32
      %convert_element_type3A_372 = arith.extui %lt3A_371 : i1 to i32
      %cond3A_373 = arith.constant 0 : i32
      %cond3A_374 = arith.cmpi ne, %convert_element_type3A_372, %cond3A_373 : i32
      scf.if %cond3A_374 {
        %add3A_492 = arith.constant 1 : i32
        %add3A_493 = arith.addi %add3A_365, %add3A_492 : i32
        %mul3A_494 = arith.constant 8 : i32
        %mul3A_495 = arith.muli %add3A_493, %mul3A_494 : i32
        %add3A_496 = arith.addi %mul3A_2, %mul3A_495 : i32
        %rem3A_497 = arith.constant 3 : i32
        %rem3A_498 = arith.remsi %add3A_493, %rem3A_497 : i32
        %dma_start3A_499 = arith.constant 0 : i32
        %dma_start3A_500 = arith.constant 0 : i32
        %dma_start3A_501 = tpu.memref_slice %arg5[%rem3A_498, %dma_start3A_499, %dma_start3A_500] : memref<3x8x20xi32, #tpu.memory_space<vmem>> -> memref<1x8x20xi32, #tpu.memory_space<vmem>>
        %dma_start3A_502 = tpu.memref_squeeze %dma_start3A_501 : memref<1x8x20xi32, #tpu.memory_space<vmem>> -> memref<8x20xi32, #tpu.memory_space<vmem>>
        %dma_start3A_503 = arith.constant 0 : i32
        %dma_start3A_504 = tpu.memref_slice %arg3[%add3A_496, %dma_start3A_503] : memref<16384x20xi32, #tpu.memory_space<hbm>> -> memref<8x20xi32, #tpu.memory_space<hbm>>
        %dma_start3A_505 = arith.constant 0 : i32
        %dma_start3A_506 = arith.constant 0 : i32
        %dma_start3A_507 = tpu.memref_slice %arg5[%rem3A_498, %dma_start3A_505, %dma_start3A_506] : memref<3x8x20xi32, #tpu.memory_space<vmem>> -> memref<1x8x20xi32, #tpu.memory_space<vmem>>
        %dma_start3A_508 = tpu.memref_squeeze %dma_start3A_507 : memref<1x8x20xi32, #tpu.memory_space<vmem>> -> memref<8x20xi32, #tpu.memory_space<vmem>>
        %dma_start3A_509 = arith.constant 0 : i32
        %dma_start3A_510 = tpu.memref_slice %arg3[%add3A_496, %dma_start3A_509] : memref<16384x20xi32, #tpu.memory_space<hbm>> -> memref<8x20xi32, #tpu.memory_space<hbm>>
        tpu.enqueue_dma source(%dma_start3A_510 : memref<8x20xi32, #tpu.memory_space<hbm>>) target(%dma_start3A_508 : memref<8x20xi32, #tpu.memory_space<vmem>>) target_semaphore(%arg7 : memref<!tpu.dma_semaphore, #tpu.memory_space<semaphore_mem>>)
      } else {
      }
      %rem3A_375 = arith.constant 3 : i32
      %rem3A_376 = arith.remsi %scan3A_361, %rem3A_375 : i32
      %dma_wait3A_377 = arith.constant 0 : i32
      %dma_wait3A_378 = arith.constant 0 : i32
      %dma_wait3A_379 = arith.constant 0 : i32
      %dma_wait3A_380 = arith.constant 0 : i32
      %dma_wait3A_381 = tpu.memref_slice %arg6[%rem3A_363, %dma_wait3A_378, %dma_wait3A_379, %dma_wait3A_380] : memref<3x8x20x128xf32, #tpu.memory_space<vmem>> -> memref<1x1x20x128xf32, #tpu.memory_space<vmem>>
      %dma_wait3A_382 = tpu.memref_squeeze %dma_wait3A_381 : memref<1x1x20x128xf32, #tpu.memory_space<vmem>> -> memref<20x128xf32, #tpu.memory_space<vmem>>
      %dma_wait3A_383 = arith.constant 0 : i32
      %dma_wait3A_384 = tpu.memref_slice %arg5[%rem3A_376, %dma_wait3A_377, %dma_wait3A_383] : memref<3x8x20xi32, #tpu.memory_space<vmem>> -> memref<1x1x20xi32, #tpu.memory_space<vmem>>
      %dma_wait3A_385 = tpu.memref_squeeze %dma_wait3A_384 : memref<1x1x20xi32, #tpu.memory_space<vmem>> -> memref<20xi32, #tpu.memory_space<vmem>>
      %dma_wait3A_386 = arith.constant 0 : i32
      %dma_wait3A_387 = arith.constant 0 : i32
      %dma_wait3A_388 = tpu.memref_slice %arg2[%dma_wait3A_386, %dma_wait3A_387] : memref<1000000x128xf32, #tpu.memory_space<hbm>> -> memref<1000000x128xf32, #tpu.memory_space<hbm>>
      tpu.wait_indirect_dma semaphore(%arg8 : memref<!tpu.dma_semaphore, #tpu.memory_space<semaphore_mem>>) src(%dma_wait3A_388 : memref<1000000x128xf32, #tpu.memory_space<hbm>>) dst(%dma_wait3A_382 : memref<20x128xf32, #tpu.memory_space<vmem>>)
      %dma_wait3A_389 = arith.constant 1 : i32
      %dma_wait3A_390 = arith.constant 1 : i32
      %dma_wait3A_391 = arith.constant 0 : i32
      %dma_wait3A_392 = arith.constant 0 : i32
      %dma_wait3A_393 = tpu.memref_slice %arg6[%rem3A_363, %dma_wait3A_390, %dma_wait3A_391, %dma_wait3A_392] : memref<3x8x20x128xf32, #tpu.memory_space<vmem>> -> memref<1x1x20x128xf32, #tpu.memory_space<vmem>>
      %dma_wait3A_394 = tpu.memref_squeeze %dma_wait3A_393 : memref<1x1x20x128xf32, #tpu.memory_space<vmem>> -> memref<20x128xf32, #tpu.memory_space<vmem>>
      %dma_wait3A_395 = arith.constant 0 : i32
      %dma_wait3A_396 = tpu.memref_slice %arg5[%rem3A_376, %dma_wait3A_389, %dma_wait3A_395] : memref<3x8x20xi32, #tpu.memory_space<vmem>> -> memref<1x1x20xi32, #tpu.memory_space<vmem>>
      %dma_wait3A_397 = tpu.memref_squeeze %dma_wait3A_396 : memref<1x1x20xi32, #tpu.memory_space<vmem>> -> memref<20xi32, #tpu.memory_space<vmem>>
      %dma_wait3A_398 = arith.constant 0 : i32
      %dma_wait3A_399 = arith.constant 0 : i32
      %dma_wait3A_400 = tpu.memref_slice %arg2[%dma_wait3A_398, %dma_wait3A_399] : memref<1000000x128xf32, #tpu.memory_space<hbm>> -> memref<1000000x128xf32, #tpu.memory_space<hbm>>
      tpu.wait_indirect_dma semaphore(%arg8 : memref<!tpu.dma_semaphore, #tpu.memory_space<semaphore_mem>>) src(%dma_wait3A_400 : memref<1000000x128xf32, #tpu.memory_space<hbm>>) dst(%dma_wait3A_394 : memref<20x128xf32, #tpu.memory_space<vmem>>)
      %dma_wait3A_401 = arith.constant 2 : i32
      %dma_wait3A_402 = arith.constant 2 : i32
      %dma_wait3A_403 = arith.constant 0 : i32
      %dma_wait3A_404 = arith.constant 0 : i32
      %dma_wait3A_405 = tpu.memref_slice %arg6[%rem3A_363, %dma_wait3A_402, %dma_wait3A_403, %dma_wait3A_404] : memref<3x8x20x128xf32, #tpu.memory_space<vmem>> -> memref<1x1x20x128xf32, #tpu.memory_space<vmem>>
      %dma_wait3A_406 = tpu.memref_squeeze %dma_wait3A_405 : memref<1x1x20x128xf32, #tpu.memory_space<vmem>> -> memref<20x128xf32, #tpu.memory_space<vmem>>
      %dma_wait3A_407 = arith.constant 0 : i32
      %dma_wait3A_408 = tpu.memref_slice %arg5[%rem3A_376, %dma_wait3A_401, %dma_wait3A_407] : memref<3x8x20xi32, #tpu.memory_space<vmem>> -> memref<1x1x20xi32, #tpu.memory_space<vmem>>
      %dma_wait3A_409 = tpu.memref_squeeze %dma_wait3A_408 : memref<1x1x20xi32, #tpu.memory_space<vmem>> -> memref<20xi32, #tpu.memory_space<vmem>>
      %dma_wait3A_410 = arith.constant 0 : i32
      %dma_wait3A_411 = arith.constant 0 : i32
      %dma_wait3A_412 = tpu.memref_slice %arg2[%dma_wait3A_410, %dma_wait3A_411] : memref<1000000x128xf32, #tpu.memory_space<hbm>> -> memref<1000000x128xf32, #tpu.memory_space<hbm>>
      tpu.wait_indirect_dma semaphore(%arg8 : memref<!tpu.dma_semaphore, #tpu.memory_space<semaphore_mem>>) src(%dma_wait3A_412 : memref<1000000x128xf32, #tpu.memory_space<hbm>>) dst(%dma_wait3A_406 : memref<20x128xf32, #tpu.memory_space<vmem>>)
      %dma_wait3A_413 = arith.constant 3 : i32
      %dma_wait3A_414 = arith.constant 3 : i32
      %dma_wait3A_415 = arith.constant 0 : i32
      %dma_wait3A_416 = arith.constant 0 : i32
      %dma_wait3A_417 = tpu.memref_slice %arg6[%rem3A_363, %dma_wait3A_414, %dma_wait3A_415, %dma_wait3A_416] : memref<3x8x20x128xf32, #tpu.memory_space<vmem>> -> memref<1x1x20x128xf32, #tpu.memory_space<vmem>>
      %dma_wait3A_418 = tpu.memref_squeeze %dma_wait3A_417 : memref<1x1x20x128xf32, #tpu.memory_space<vmem>> -> memref<20x128xf32, #tpu.memory_space<vmem>>
      %dma_wait3A_419 = arith.constant 0 : i32
      %dma_wait3A_420 = tpu.memref_slice %arg5[%rem3A_376, %dma_wait3A_413, %dma_wait3A_419] : memref<3x8x20xi32, #tpu.memory_space<vmem>> -> memref<1x1x20xi32, #tpu.memory_space<vmem>>
      %dma_wait3A_421 = tpu.memref_squeeze %dma_wait3A_420 : memref<1x1x20xi32, #tpu.memory_space<vmem>> -> memref<20xi32, #tpu.memory_space<vmem>>
      %dma_wait3A_422 = arith.constant 0 : i32
      %dma_wait3A_423 = arith.constant 0 : i32
      %dma_wait3A_424 = tpu.memref_slice %arg2[%dma_wait3A_422, %dma_wait3A_423] : memref<1000000x128xf32, #tpu.memory_space<hbm>> -> memref<1000000x128xf32, #tpu.memory_space<hbm>>
      tpu.wait_indirect_dma semaphore(%arg8 : memref<!tpu.dma_semaphore, #tpu.memory_space<semaphore_mem>>) src(%dma_wait3A_424 : memref<1000000x128xf32, #tpu.memory_space<hbm>>) dst(%dma_wait3A_418 : memref<20x128xf32, #tpu.memory_space<vmem>>)
      %dma_wait3A_425 = arith.constant 4 : i32
      %dma_wait3A_426 = arith.constant 4 : i32
      %dma_wait3A_427 = arith.constant 0 : i32
      %dma_wait3A_428 = arith.constant 0 : i32
      %dma_wait3A_429 = tpu.memref_slice %arg6[%rem3A_363, %dma_wait3A_426, %dma_wait3A_427, %dma_wait3A_428] : memref<3x8x20x128xf32, #tpu.memory_space<vmem>> -> memref<1x1x20x128xf32, #tpu.memory_space<vmem>>
      %dma_wait3A_430 = tpu.memref_squeeze %dma_wait3A_429 : memref<1x1x20x128xf32, #tpu.memory_space<vmem>> -> memref<20x128xf32, #tpu.memory_space<vmem>>
      %dma_wait3A_431 = arith.constant 0 : i32
      %dma_wait3A_432 = tpu.memref_slice %arg5[%rem3A_376, %dma_wait3A_425, %dma_wait3A_431] : memref<3x8x20xi32, #tpu.memory_space<vmem>> -> memref<1x1x20xi32, #tpu.memory_space<vmem>>
      %dma_wait3A_433 = tpu.memref_squeeze %dma_wait3A_432 : memref<1x1x20xi32, #tpu.memory_space<vmem>> -> memref<20xi32, #tpu.memory_space<vmem>>
      %dma_wait3A_434 = arith.constant 0 : i32
      %dma_wait3A_435 = arith.constant 0 : i32
      %dma_wait3A_436 = tpu.memref_slice %arg2[%dma_wait3A_434, %dma_wait3A_435] : memref<1000000x128xf32, #tpu.memory_space<hbm>> -> memref<1000000x128xf32, #tpu.memory_space<hbm>>
      tpu.wait_indirect_dma semaphore(%arg8 : memref<!tpu.dma_semaphore, #tpu.memory_space<semaphore_mem>>) src(%dma_wait3A_436 : memref<1000000x128xf32, #tpu.memory_space<hbm>>) dst(%dma_wait3A_430 : memref<20x128xf32, #tpu.memory_space<vmem>>)
      %dma_wait3A_437 = arith.constant 5 : i32
      %dma_wait3A_438 = arith.constant 5 : i32
      %dma_wait3A_439 = arith.constant 0 : i32
      %dma_wait3A_440 = arith.constant 0 : i32
      %dma_wait3A_441 = tpu.memref_slice %arg6[%rem3A_363, %dma_wait3A_438, %dma_wait3A_439, %dma_wait3A_440] : memref<3x8x20x128xf32, #tpu.memory_space<vmem>> -> memref<1x1x20x128xf32, #tpu.memory_space<vmem>>
      %dma_wait3A_442 = tpu.memref_squeeze %dma_wait3A_441 : memref<1x1x20x128xf32, #tpu.memory_space<vmem>> -> memref<20x128xf32, #tpu.memory_space<vmem>>
      %dma_wait3A_443 = arith.constant 0 : i32
      %dma_wait3A_444 = tpu.memref_slice %arg5[%rem3A_376, %dma_wait3A_437, %dma_wait3A_443] : memref<3x8x20xi32, #tpu.memory_space<vmem>> -> memref<1x1x20xi32, #tpu.memory_space<vmem>>
      %dma_wait3A_445 = tpu.memref_squeeze %dma_wait3A_444 : memref<1x1x20xi32, #tpu.memory_space<vmem>> -> memref<20xi32, #tpu.memory_space<vmem>>
      %dma_wait3A_446 = arith.constant 0 : i32
      %dma_wait3A_447 = arith.constant 0 : i32
      %dma_wait3A_448 = tpu.memref_slice %arg2[%dma_wait3A_446, %dma_wait3A_447] : memref<1000000x128xf32, #tpu.memory_space<hbm>> -> memref<1000000x128xf32, #tpu.memory_space<hbm>>
      tpu.wait_indirect_dma semaphore(%arg8 : memref<!tpu.dma_semaphore, #tpu.memory_space<semaphore_mem>>) src(%dma_wait3A_448 : memref<1000000x128xf32, #tpu.memory_space<hbm>>) dst(%dma_wait3A_442 : memref<20x128xf32, #tpu.memory_space<vmem>>)
      %dma_wait3A_449 = arith.constant 6 : i32
      %dma_wait3A_450 = arith.constant 6 : i32
      %dma_wait3A_451 = arith.constant 0 : i32
      %dma_wait3A_452 = arith.constant 0 : i32
      %dma_wait3A_453 = tpu.memref_slice %arg6[%rem3A_363, %dma_wait3A_450, %dma_wait3A_451, %dma_wait3A_452] : memref<3x8x20x128xf32, #tpu.memory_space<vmem>> -> memref<1x1x20x128xf32, #tpu.memory_space<vmem>>
      %dma_wait3A_454 = tpu.memref_squeeze %dma_wait3A_453 : memref<1x1x20x128xf32, #tpu.memory_space<vmem>> -> memref<20x128xf32, #tpu.memory_space<vmem>>
      %dma_wait3A_455 = arith.constant 0 : i32
      %dma_wait3A_456 = tpu.memref_slice %arg5[%rem3A_376, %dma_wait3A_449, %dma_wait3A_455] : memref<3x8x20xi32, #tpu.memory_space<vmem>> -> memref<1x1x20xi32, #tpu.memory_space<vmem>>
      %dma_wait3A_457 = tpu.memref_squeeze %dma_wait3A_456 : memref<1x1x20xi32, #tpu.memory_space<vmem>> -> memref<20xi32, #tpu.memory_space<vmem>>
      %dma_wait3A_458 = arith.constant 0 : i32
      %dma_wait3A_459 = arith.constant 0 : i32
      %dma_wait3A_460 = tpu.memref_slice %arg2[%dma_wait3A_458, %dma_wait3A_459] : memref<1000000x128xf32, #tpu.memory_space<hbm>> -> memref<1000000x128xf32, #tpu.memory_space<hbm>>
      tpu.wait_indirect_dma semaphore(%arg8 : memref<!tpu.dma_semaphore, #tpu.memory_space<semaphore_mem>>) src(%dma_wait3A_460 : memref<1000000x128xf32, #tpu.memory_space<hbm>>) dst(%dma_wait3A_454 : memref<20x128xf32, #tpu.memory_space<vmem>>)
      %dma_wait3A_461 = arith.constant 7 : i32
      %dma_wait3A_462 = arith.constant 7 : i32
      %dma_wait3A_463 = arith.constant 0 : i32
      %dma_wait3A_464 = arith.constant 0 : i32
      %dma_wait3A_465 = tpu.memref_slice %arg6[%rem3A_363, %dma_wait3A_462, %dma_wait3A_463, %dma_wait3A_464] : memref<3x8x20x128xf32, #tpu.memory_space<vmem>> -> memref<1x1x20x128xf32, #tpu.memory_space<vmem>>
      %dma_wait3A_466 = tpu.memref_squeeze %dma_wait3A_465 : memref<1x1x20x128xf32, #tpu.memory_space<vmem>> -> memref<20x128xf32, #tpu.memory_space<vmem>>
      %dma_wait3A_467 = arith.constant 0 : i32
      %dma_wait3A_468 = tpu.memref_slice %arg5[%rem3A_376, %dma_wait3A_461, %dma_wait3A_467] : memref<3x8x20xi32, #tpu.memory_space<vmem>> -> memref<1x1x20xi32, #tpu.memory_space<vmem>>
      %dma_wait3A_469 = tpu.memref_squeeze %dma_wait3A_468 : memref<1x1x20xi32, #tpu.memory_space<vmem>> -> memref<20xi32, #tpu.memory_space<vmem>>
      %dma_wait3A_470 = arith.constant 0 : i32
      %dma_wait3A_471 = arith.constant 0 : i32
      %dma_wait3A_472 = tpu.memref_slice %arg2[%dma_wait3A_470, %dma_wait3A_471] : memref<1000000x128xf32, #tpu.memory_space<hbm>> -> memref<1000000x128xf32, #tpu.memory_space<hbm>>
      tpu.wait_indirect_dma semaphore(%arg8 : memref<!tpu.dma_semaphore, #tpu.memory_space<semaphore_mem>>) src(%dma_wait3A_472 : memref<1000000x128xf32, #tpu.memory_space<hbm>>) dst(%dma_wait3A_466 : memref<20x128xf32, #tpu.memory_space<vmem>>)
      %mul3A_473 = arith.constant 8 : i32
      %mul3A_474 = arith.muli %scan3A_361, %mul3A_473 : i32
      %add3A_475 = arith.addi %mul3A_2, %mul3A_474 : i32
      %dma_start3A_476 = arith.constant 0 : i32
      %dma_start3A_477 = arith.constant 0 : i32
      %dma_start3A_478 = arith.constant 0 : i32
      %dma_start3A_479 = tpu.memref_slice %arg6[%rem3A_363, %dma_start3A_476, %dma_start3A_477, %dma_start3A_478] : memref<3x8x20x128xf32, #tpu.memory_space<vmem>> -> memref<1x8x20x128xf32, #tpu.memory_space<vmem>>
      %dma_start3A_480 = tpu.memref_squeeze %dma_start3A_479 : memref<1x8x20x128xf32, #tpu.memory_space<vmem>> -> memref<8x20x128xf32, #tpu.memory_space<vmem>>
      %dma_start3A_481 = arith.constant 0 : i32
      %dma_start3A_482 = arith.constant 0 : i32
      %dma_start3A_483 = tpu.memref_slice %arg4[%add3A_475, %dma_start3A_481, %dma_start3A_482] : memref<16384x20x128xf32, #tpu.memory_space<hbm>> -> memref<8x20x128xf32, #tpu.memory_space<hbm>>
      %dma_start3A_484 = arith.constant 0 : i32
      %dma_start3A_485 = arith.constant 0 : i32
      %dma_start3A_486 = tpu.memref_slice %arg4[%add3A_475, %dma_start3A_484, %dma_start3A_485] : memref<16384x20x128xf32, #tpu.memory_space<hbm>> -> memref<8x20x128xf32, #tpu.memory_space<hbm>>
      %dma_start3A_487 = arith.constant 0 : i32
      %dma_start3A_488 = arith.constant 0 : i32
      %dma_start3A_489 = arith.constant 0 : i32
      %dma_start3A_490 = tpu.memref_slice %arg6[%rem3A_363, %dma_start3A_487, %dma_start3A_488, %dma_start3A_489] : memref<3x8x20x128xf32, #tpu.memory_space<vmem>> -> memref<1x8x20x128xf32, #tpu.memory_space<vmem>>
      %dma_start3A_491 = tpu.memref_squeeze %dma_start3A_490 : memref<1x8x20x128xf32, #tpu.memory_space<vmem>> -> memref<8x20x128xf32, #tpu.memory_space<vmem>>
      tpu.enqueue_dma source(%dma_start3A_491 : memref<8x20x128xf32, #tpu.memory_space<vmem>>) target(%dma_start3A_486 : memref<8x20x128xf32, #tpu.memory_space<hbm>>) target_semaphore(%arg9 : memref<!tpu.dma_semaphore, #tpu.memory_space<semaphore_mem>>)
    }
    %scan3A_303 = arith.constant 64 : i32
    %add3A_304 = arith.constant 488 : i32
    %add3A_305 = arith.addi %mul3A_2, %add3A_304 : i32
    %dma_wait3A_306 = arith.constant 1 : i32
    %dma_wait3A_307 = arith.constant 0 : i32
    %dma_wait3A_308 = arith.constant 0 : i32
    %dma_wait3A_309 = arith.constant 0 : i32
    %dma_wait3A_310 = tpu.memref_slice %arg6[%dma_wait3A_306, %dma_wait3A_307, %dma_wait3A_308, %dma_wait3A_309] : memref<3x8x20x128xf32, #tpu.memory_space<vmem>> -> memref<1x8x20x128xf32, #tpu.memory_space<vmem>>
    %dma_wait3A_311 = tpu.memref_squeeze %dma_wait3A_310 : memref<1x8x20x128xf32, #tpu.memory_space<vmem>> -> memref<8x20x128xf32, #tpu.memory_space<vmem>>
    %dma_wait3A_312 = arith.constant 0 : i32
    %dma_wait3A_313 = arith.constant 0 : i32
    %dma_wait3A_314 = tpu.memref_slice %arg4[%add3A_305, %dma_wait3A_312, %dma_wait3A_313] : memref<16384x20x128xf32, #tpu.memory_space<hbm>> -> memref<8x20x128xf32, #tpu.memory_space<hbm>>
    %dma_wait3A_315 = arith.constant 0 : i32
    %dma_wait3A_316 = arith.constant 0 : i32
    %dma_wait3A_317 = tpu.memref_slice %arg4[%add3A_305, %dma_wait3A_315, %dma_wait3A_316] : memref<16384x20x128xf32, #tpu.memory_space<hbm>> -> memref<8x20x128xf32, #tpu.memory_space<hbm>>
    %dma_wait3A_318 = arith.constant 0 : i32
    %dma_wait3A_319 = arith.constant 0 : i32
    %dma_wait3A_320 = arith.constant 0 : i32
    %dma_wait3A_321 = tpu.memref_slice %arg6[%dma_wait3A_306, %dma_wait3A_318, %dma_wait3A_319, %dma_wait3A_320] : memref<3x8x20x128xf32, #tpu.memory_space<vmem>> -> memref<1x8x20x128xf32, #tpu.memory_space<vmem>>
    %dma_wait3A_322 = tpu.memref_squeeze %dma_wait3A_321 : memref<1x8x20x128xf32, #tpu.memory_space<vmem>> -> memref<8x20x128xf32, #tpu.memory_space<vmem>>
    tpu.wait_dma2 semaphore(%arg9 : memref<!tpu.dma_semaphore, #tpu.memory_space<semaphore_mem>>) src(%dma_wait3A_322 : memref<8x20x128xf32, #tpu.memory_space<vmem>>) dst(%dma_wait3A_317 : memref<8x20x128xf32, #tpu.memory_space<hbm>>)
    %add3A_323 = arith.constant 496 : i32
    %add3A_324 = arith.addi %mul3A_2, %add3A_323 : i32
    %dma_wait3A_325 = arith.constant 2 : i32
    %dma_wait3A_326 = arith.constant 0 : i32
    %dma_wait3A_327 = arith.constant 0 : i32
    %dma_wait3A_328 = arith.constant 0 : i32
    %dma_wait3A_329 = tpu.memref_slice %arg6[%dma_wait3A_325, %dma_wait3A_326, %dma_wait3A_327, %dma_wait3A_328] : memref<3x8x20x128xf32, #tpu.memory_space<vmem>> -> memref<1x8x20x128xf32, #tpu.memory_space<vmem>>
    %dma_wait3A_330 = tpu.memref_squeeze %dma_wait3A_329 : memref<1x8x20x128xf32, #tpu.memory_space<vmem>> -> memref<8x20x128xf32, #tpu.memory_space<vmem>>
    %dma_wait3A_331 = arith.constant 0 : i32
    %dma_wait3A_332 = arith.constant 0 : i32
    %dma_wait3A_333 = tpu.memref_slice %arg4[%add3A_324, %dma_wait3A_331, %dma_wait3A_332] : memref<16384x20x128xf32, #tpu.memory_space<hbm>> -> memref<8x20x128xf32, #tpu.memory_space<hbm>>
    %dma_wait3A_334 = arith.constant 0 : i32
    %dma_wait3A_335 = arith.constant 0 : i32
    %dma_wait3A_336 = tpu.memref_slice %arg4[%add3A_324, %dma_wait3A_334, %dma_wait3A_335] : memref<16384x20x128xf32, #tpu.memory_space<hbm>> -> memref<8x20x128xf32, #tpu.memory_space<hbm>>
    %dma_wait3A_337 = arith.constant 0 : i32
    %dma_wait3A_338 = arith.constant 0 : i32
    %dma_wait3A_339 = arith.constant 0 : i32
    %dma_wait3A_340 = tpu.memref_slice %arg6[%dma_wait3A_325, %dma_wait3A_337, %dma_wait3A_338, %dma_wait3A_339] : memref<3x8x20x128xf32, #tpu.memory_space<vmem>> -> memref<1x8x20x128xf32, #tpu.memory_space<vmem>>
    %dma_wait3A_341 = tpu.memref_squeeze %dma_wait3A_340 : memref<1x8x20x128xf32, #tpu.memory_space<vmem>> -> memref<8x20x128xf32, #tpu.memory_space<vmem>>
    tpu.wait_dma2 semaphore(%arg9 : memref<!tpu.dma_semaphore, #tpu.memory_space<semaphore_mem>>) src(%dma_wait3A_341 : memref<8x20x128xf32, #tpu.memory_space<vmem>>) dst(%dma_wait3A_336 : memref<8x20x128xf32, #tpu.memory_space<hbm>>)
    %add3A_342 = arith.constant 504 : i32
    %add3A_343 = arith.addi %mul3A_2, %add3A_342 : i32
    %dma_wait3A_344 = arith.constant 0 : i32
    %dma_wait3A_345 = arith.constant 0 : i32
    %dma_wait3A_346 = arith.constant 0 : i32
    %dma_wait3A_347 = arith.constant 0 : i32
    %dma_wait3A_348 = tpu.memref_slice %arg6[%dma_wait3A_344, %dma_wait3A_345, %dma_wait3A_346, %dma_wait3A_347] : memref<3x8x20x128xf32, #tpu.memory_space<vmem>> -> memref<1x8x20x128xf32, #tpu.memory_space<vmem>>
    %dma_wait3A_349 = tpu.memref_squeeze %dma_wait3A_348 : memref<1x8x20x128xf32, #tpu.memory_space<vmem>> -> memref<8x20x128xf32, #tpu.memory_space<vmem>>
    %dma_wait3A_350 = arith.constant 0 : i32
    %dma_wait3A_351 = arith.constant 0 : i32
    %dma_wait3A_352 = tpu.memref_slice %arg4[%add3A_343, %dma_wait3A_350, %dma_wait3A_351] : memref<16384x20x128xf32, #tpu.memory_space<hbm>> -> memref<8x20x128xf32, #tpu.memory_space<hbm>>
    %dma_wait3A_353 = arith.constant 0 : i32
    %dma_wait3A_354 = arith.constant 0 : i32
    %dma_wait3A_355 = tpu.memref_slice %arg4[%add3A_343, %dma_wait3A_353, %dma_wait3A_354] : memref<16384x20x128xf32, #tpu.memory_space<hbm>> -> memref<8x20x128xf32, #tpu.memory_space<hbm>>
    %dma_wait3A_356 = arith.constant 0 : i32
    %dma_wait3A_357 = arith.constant 0 : i32
    %dma_wait3A_358 = arith.constant 0 : i32
    %dma_wait3A_359 = tpu.memref_slice %arg6[%dma_wait3A_344, %dma_wait3A_356, %dma_wait3A_357, %dma_wait3A_358] : memref<3x8x20x128xf32, #tpu.memory_space<vmem>> -> memref<1x8x20x128xf32, #tpu.memory_space<vmem>>
    %dma_wait3A_360 = tpu.memref_squeeze %dma_wait3A_359 : memref<1x8x20x128xf32, #tpu.memory_space<vmem>> -> memref<8x20x128xf32, #tpu.memory_space<vmem>>
    tpu.wait_dma2 semaphore(%arg9 : memref<!tpu.dma_semaphore, #tpu.memory_space<semaphore_mem>>) src(%dma_wait3A_360 : memref<8x20x128xf32, #tpu.memory_space<vmem>>) dst(%dma_wait3A_355 : memref<8x20x128xf32, #tpu.memory_space<hbm>>)
    return
  }
}

</mosaic_0001>

<sc_bundles>
// kernel: kernel.3.cloned.1.call-start
scs
__scs_entry_jumppad:
0x0: {  	(pc) =	sbr.rel $0x88, $3  }
0x1: {  	(tag) =	ssettag $0x0;
	lr =	simm.s32 $0x1  }
0x2: {  	[smem:$0x3F9F] =	sst lr;
	_ =	strace $0xD0000000  }
0x3: {  	_ = 	snop  }
0x4: {  	_ = 	snop  }
0x5: {  	_ = 	snop  }
0x6: {  	_ = 	snop  }
0x7: {  	_ = 	snop  }
__scs_overlays_trampoline_lowered:
0x8: {  	[smem:$0x3FAE] =	sst s0  }
0x9: {  	[smem:$0x3FAF] =	sst s1  }
0xa: {  	[smem:$0x3FB0] =	sst s2  }
0xb: {  	[smem:$0x3FB1] =	sst s3  }
0xc: {  	[smem:$0x3FB2] =	sst s4  }
0xd: {  	[smem:$0x3FB3] =	sst s5  }
0xe: {  	[smem:$0x3FB4] =	sst s6  }
0xf: {  	[smem:$0x3FB5] =	sst s7  }
0x10: {  	[smem:$0x3FB6] =	sst s8  }
0x11: {  	[smem:$0x3FB7] =	sst s9;
	s0 =	simm.s32 @!p0 $0x0  }
0x12: {  	s1 =	sld [smem:$0x3F9D];
	s0 =	simm.s32 @p0 $0x1  }
0x13: {  	[smem:$0x3FB8] =	sst s0;
	s0 =	simm.s32 @!p1 $0x0  }
0x14: {  	s2 =	sld [smem:$0x3F9C];
	s0 =	simm.s32 @p1 $0x1  }
0x15: {  	[smem:$0x3FB9] =	sst s0;
	s0 =	simm.s32 @!p2 $0x0  }
0x16: {  	s3 =	sld [smem:$0x3FDB];
	s0 =	simm.s32 @p2 $0x1  }
0x17: {  	s4 =	simm.s32 $0x1BF5;
	[smem:$0x3FBB] =	sst s0  }
0x18: {  	s0 =	sld [smem:$0x3F9E];
	_ =	swait.ge [sflag:s4], $0x0  }
0x19: {  	s7 =	sld [smem:$0x3F9F]  }
0x1a: {  	s8 =	sadd.s32 $0xFFFFE003, lr  }
0x1b: {  	s9 =	sadd.s32 $0xFFFFFEF7, lr;
	s5 =	simm.s32 $0xFFFFFFFF;
	p2 =	slt.u32 s8, $0xFFFFF086  }
0x1c: {  	p1 =	slt.u32 s9, $0xF7A;
	s5 =	simm.s32 @!p2 $0x0  }
0x1d: {  	s5 =	simm.s32 @p1 $0x1;
	p0 =	seq.s32 s7, s2  }
0x1e: {  	s7 =	smul.u32 @!p0 $0xF7A, s2;
	p2 =	seq.s32 @!p0 s5, $0x0  }
0x1f: {  	s9 =	smul.u32 $0xF7A, s1;
	s8 =	simm.s32 @!p0 $0x1BF5;
	p2 =	por !p2, p0  }
0x20: {  	[sflag:s8] =	ssyncset.s32 @!p0 $0xFFFFF086;
	s6 =	sadd.s32 @!p0 s3, s7;
	s7 =	simm.s32 @!p0 $0x108  }
0x21: {  	s3 =	sadd.s32 s3, s9;
	s6 =	sadd.s32 @!p0 $0x88, s6;
	s7 =	simm.s32 @p2 $0x1082  }
0x22: {  	[simem:s7], [sflag:s8] =	dma.local @!p0 [hbm:s6], $0xF7A  }
0x23: {  	s9 =	sor.u32 $0xD0000000, s2;
	s6 =	simm.s32 $0x108;
	_ =	swait.ge @!p0 [sflag:s8], $0x0  }
0x24: {  	s3 =	sadd.s32 $0x88, s3;
	s6 =	simm.s32 @!p1 $0x1082;
	[sflag:s4] =	ssyncset.s32 $0xFFFFF086  }
0x25: {  	[simem:s6], [sflag:s4] =	dma.local [hbm:s3], $0xF7A  }
0x26: {  	[smem:$0x3F9F] =	sst s1;
	(tag) =	ssettag s2;
	_ =	strace s9  }
0x27: {  	s1 =	sld [smem:$0x3FAF]  }
0x28: {  	s2 =	sld [smem:$0x3FB0]  }
0x29: {  	s4 =	sld [smem:$0x3FB2]  }
0x2a: {  	p0 =	seq.s32 s5, $0x0;
	s5 =	sld [smem:$0x3FB3]  }
0x2b: {  	s6 =	sld [smem:$0x3FB4]  }
0x2c: {  	s7 =	sld [smem:$0x3FB5]  }
0x2d: {  	s3 =	simm.s32 $0x108;
	s8 =	sld [smem:$0x3FB6]  }
0x2e: {  	s3 =	simm.s32 @!p0 $0x1082;
	s9 =	sld [smem:$0x3FB7]  }
0x2f: {  	lr =	sadd.s32 s0, s3;
	s0 =	sld [smem:$0x3FAE]  }
0x30: {  	s3 =	sld [smem:$0x3FB1]  }
0x31: {  	[smem:$0x3FBA] =	sst s10  }
0x32: {  	s10 =	sld [smem:$0x3FB8];
	_ =	sdelay $0x3  }
0x33: {  	p0 =	seq.s32 s10, $0x1;
	s10 =	sld [smem:$0x3FBA];
	_ =	sdelay $0x3  }
0x34: {  	[smem:$0x3FBA] =	sst s10  }
0x35: {  	s10 =	sld [smem:$0x3FB9];
	_ =	sdelay $0x3  }
0x36: {  	p1 =	seq.s32 s10, $0x1;
	s10 =	sld [smem:$0x3FBA];
	_ =	sdelay $0x3  }
0x37: {  	[smem:$0x3FBA] =	sst s10  }
0x38: {  	s10 =	sld [smem:$0x3FBB]  }
0x39: {  	_ = 	snop;
	(pc) =	sbr.ind lr, $3  }
0x3a: {  	_ = 	snop  }
0x3b: {  	_ = 	snop  }
0x3c: {  	p2 =	seq.s32 s10, $0x1;
	s10 =	sld [smem:$0x3FBA]  }
0x3d: {  	_ =	shalt  }
0x3e: {  	_ =	shalt  }
0x3f: {  	_ =	shalt  }
0x40: {  	_ =	shalt  }
0x41: {  	_ =	shalt  }
0x42: {  	_ =	shalt  }
0x43: {  	_ =	shalt  }
0x44: {  	_ =	shalt  }
0x45: {  	_ =	shalt  }
0x46: {  	_ =	shalt  }
0x47: {  	_ =	shalt  }
0x48: {  	_ =	shalt  }
0x49: {  	_ =	shalt  }
0x4a: {  	_ =	shalt  }
0x4b: {  	_ =	shalt  }
0x4c: {  	_ =	shalt  }
0x4d: {  	_ =	shalt  }
0x4e: {  	_ =	shalt  }
0x4f: {  	_ =	shalt  }
0x50: {  	_ =	shalt  }
0x51: {  	_ =	shalt  }
0x52: {  	_ =	shalt  }
0x53: {  	_ =	shalt  }
0x54: {  	_ =	shalt  }
0x55: {  	_ =	shalt  }
0x56: {  	_ =	shalt  }
0x57: {  	_ =	shalt  }
0x58: {  	_ =	shalt  }
0x59: {  	_ =	shalt  }
0x5a: {  	_ =	shalt  }
0x5b: {  	_ =	shalt  }
0x5c: {  	_ =	shalt  }
0x5d: {  	_ =	shalt  }
0x5e: {  	_ =	shalt  }
0x5f: {  	_ =	shalt  }
0x60: {  	_ =	shalt  }
0x61: {  	_ =	shalt  }
0x62: {  	_ =	shalt  }
0x63: {  	_ =	shalt  }
0x64: {  	_ =	shalt  }
0x65: {  	_ =	shalt  }
0x66: {  	_ =	shalt  }
0x67: {  	_ =	shalt  }
0x68: {  	_ =	shalt  }
0x69: {  	_ =	shalt  }
0x6a: {  	_ =	shalt  }
0x6b: {  	_ =	shalt  }
0x6c: {  	_ =	shalt  }
0x6d: {  	_ =	shalt  }
0x6e: {  	_ =	shalt  }
0x6f: {  	_ =	shalt  }
0x70: {  	_ =	shalt  }
0x71: {  	_ =	shalt  }
0x72: {  	_ =	shalt  }
0x73: {  	_ =	shalt  }
0x74: {  	_ =	shalt  }
0x75: {  	_ =	shalt  }
0x76: {  	_ =	shalt  }
0x77: {  	_ =	shalt  }
0x78: {  	_ =	shalt  }
0x79: {  	_ =	shalt  }
0x7a: {  	_ =	shalt  }
0x7b: {  	_ =	shalt  }
0x7c: {  	_ =	shalt  }
0x7d: {  	_ =	shalt  }
0x7e: {  	_ =	shalt  }
0x7f: {  	_ =	shalt  }
0x80: {  	_ =	shalt  }
0x81: {  	_ =	shalt  }
0x82: {  	_ =	shalt  }
0x83: {  	_ =	shalt  }
0x84: {  	_ =	shalt  }
0x85: {  	_ =	shalt  }
0x86: {  	_ =	shalt  }
0x87: {  	_ =	shalt  }
.Lfunc_end0:
.L_simem_size_0:
called_computation.1_lowered:
.L_overlay_start_0:
0x88: {  	s2 =	sld [smem:$0x3FD9]  }
0x89: {  	s3 =	sld [smem:$0x3FFE];
	_ =	sdelay $0x1  }
0x8a: {  	s1 =	srdreg.scid  }
0x8b: {  	s0 =	sand.u32 $0x1, s1  }
0x8c: {  	s17 =	sshll.u32 s0, $0xA;
	s2 =	sadd.s32 s3, s2  }
0x8d: {  	s2 =	sadd.s32 s2, s17  }
0x8e: {  	[smem:$0x3FC6] =	sst s2  }
0x8f: {  	_ = 	snop  }
0x90: {  	s2 =	sld [smem:$0x3FD0];
	(tm) =	ssettm $0x1  }
0x91: {  	s18 =	sld [smem:$0x3FFB];
	_ =	sdelay $0x3  }
0x92: {  	_ =	strace s18  }
0x93: {  	s3 =	sld [smem:$0x3FFC];
	_ =	sdelay $0x3  }
0x94: {  	_ =	strace s3  }
0x95: {  	s3 =	sld [smem:$0x3FFD];
	_ =	sdelay $0x3  }
0x96: {  	_ =	strace s3  }
0x97: {  	_ =	strace $0x8FFFFFFF  }
0x98: {  	s19 =	sld [smem:$0x3FDB];
	_ =	sdelay $0x1  }
0x99: {  	s4 =	simm.s32 $_scs_section_size  }
0x9a: {  	s5 =	simm.s32 $_size__tile_overlayer_lowered;
	s6 =	simm.s32 $_tile_overlayer_lowered  }
0x9b: {  	s22 =	simm.s32 $0x1BFF;
	s21 =	sshll.u32 s6, $0x1;
	s3 =	sadd.s32 s4, s19  }
0x9c: {  	s7 =	simm.s32 $0x0;
	s20 =	sshll.u32 s5, $0x1;
	s5 =	sadd.s32 s21, s3  }
0x9d: {  	[timem:s7], [sflag:s22] =	dma.local [hbm:s5], s20  }
0x9e: {  	_ =	swait.ge [sflag:s22], s20  }
0x9f: {  	s4 =	ssub.s32 $0x0, s20;
	[sflag:s22] =	ssyncset.done $0x0  }
0xa0: {  	[sflag:s22] =	ssyncadd.s32 s4;
	_ =	sdelay $0x1  }
0xa1: {  	s23 =	simm.s32 $0x1B8B  }
0xa2: {  	_ =	swait.ge [sflag:s23], $0x1  }
0xa3: {  	[sflag:s23] =	ssyncset.done $0x0  }
0xa4: {  	s25 =	simm.s32 $0x1B8E;
	s24 =	sld [smem:$0x3FFE];
	[sflag:s23] =	ssyncadd.s32 $0xFFFFFFFF  }
0xa5: {  	s26 =	simm.s32 $execute0_lowered;
	[smem:$0x3FD2] =	sst s25  }
0xa6: {  	s5 =	sshll.u32 s26, $0x1;
	_ =	strace $0x80000046;
	[dreg:$0x1] =	wrdreg $0xFFFFFFFF  }
0xa7: {  	s28 =	simm.s32 $_size_execute0_lowered;
	s3 =	sadd.s32 s3, s5;
	[dreg:$0x0] =	wrdreg $0x0  }
0xa8: {  	s5 =	sshll.u32 s28, $0x1;
	[dreg:$0x2] =	wrdreg s3  }
0xa9: {  	[dreg:$0x3] =	wrdreg s5  }
0xaa: {  	[dreg:$0x4] =	wrdreg $0xC0  }
0xab: {  	_ =	task [dreg:s7], $0x5FFFF  }
0xac: {  	[dreg:$0x1] =	wrdreg $0xFFFFFFFF  }
0xad: {  	[dreg:$0x0] =	wrdreg $0x60  }
0xae: {  	[dreg:$0x2] =	wrdreg s24  }
0xaf: {  	[dreg:$0x3] =	wrdreg s2  }
0xb0: {  	[dreg:$0x4] =	wrdreg $0x9  }
0xb1: {  	_ =	task.clear_ibuf [dreg:s7], $0x5FFFF;
	_ =	strace $0x90000046  }
0xb2: {  	s29 =	simm.s32 $0x9;
	_ =	strace $0x80000048  }
0xb3: {  	_ =	swait.ge [sflag:s29], $0x1  }
0xb4: {  	[sflag:s29] =	ssyncadd.s32 $0xFFFFFFFF  }
0xb5: {  	_ =	strace $0x90000048  }
0xb6: {  	_ =	sfence  }
0xb7: {  	s30 =	sld [smem:$0x0];
	_ =	sdelay $0x2  }
0xb8: {  	s31 =	sshll.u32 s1, $0xD;
	s1 =	sshrl.u32 s1, $0x2  }
0xb9: {  	s3 =	sand.u32 $0x4000, s31;
	s1 =	sadd.s32 s1, s30  }
0xba: {  	s0 =	sor.u32 s3, s0;
	s1 =	sshll.u32 s1, $0x11  }
0xbb: {  	s0 =	sor.u32 s1, s0  }
0xbc: {  	s0 =	sadd.s32 $0x8F2B, s0  }
0xbd: {  	[sflag:s0] =	ssyncadd.remote.s32 $0x1  }
0xbe: {  	_ =	sfence.sel $0xFFFF  }
0xbf: {  	[dreg:$0x0] =	wrdreg $0xFFFFFFFF;
	(pc) =	sbr.abs _section_cstart, $3  }
0xc0: {  	[dreg:$0x1] =	wrdreg $0xFFFFFFFF  }
0xc1: {  	_ =	task.clear_ibuf [dreg:s7], $0x2FFFF;
	_ =	strace $0x9FFFFFFF  }
0xc2: {  	(tm) =	ssettm $0x7FFFFFFF  }
0xc3: {  	_ =	shalt  }
tec
execute0_lowered:
.L_overlay_start_1:
0x0: {  	(tag) =	ssettag $0x1  }
0x1: {  	s0 =	rddreg [dreg:$0x0]  }
0x2: {  	s1 =	rddreg [dreg:$0x1];
	s2 =	simm.s32 $0x0  }
0x3: {  	s7 =	stileid.u32;
	s4 =	srdreg.scid;
	s11 =	simm.s32 $0x14  }
0x4: {  	s23 =	simm.s32 $0x2;
	s24 =	simm.s32 $0x3;
	[smem:$0x7FF] =	sst s2  }
0x5: {  	s3 =	sadd.s32 $0x800, s0;
	s5 =	smul.u32 $0x60000, s7;
	s6 =	sand.u32 $0x1, s4  }
0x6: {  	s7 =	sshll.u32 s7, $0xE;
	_ =	strace $0x80000047;
	s8 =	sshll.u32 s6, $0xD  }
0x7: {  	s4 =	ssub.s32 $0x2, s6;
	s29 =	smul.u32 $0x30000, s6;
	s9 =	sor.u32 s8, s7  }
0x8: {  	s0 =	sadd.s32 s5, s0;
	s26 =	sshrl.u32 s4, $0x1;
	s28 =	sadd.s32 s1, s9  }
0x9: {  	s10 =	ssub.s32 s4, s26;
	s30 =	sadd.s32 $0x80, s28;
	[dreg:$0x3] =	wrdreg s28  }
0xa: {  	s1 =	sadd.s32 s7, s1;
	s4 =	sadd.s32 $0x100, s28;
	[dreg:$0x4] =	wrdreg s30  }
0xb: {  	s31 =	smax.u32 s10, $0x1;
	s1 =	sadd.s32 s8, s1;
	[dreg:$0x5] =	wrdreg s4  }
0xc: {  	s0 =	sadd.s32 s29, s0;
	[dreg:$0x6] =	wrdreg s31;
	s1 =	sadd.s32 $0x180, s1  }
0xd: {  	s25 =	simm.s32 $0x0;
	[dreg:$0x7] =	wrdreg s1;
	s1 =	sadd.s32 $0xF42C00, s0  }
.LBB2_1:
0xe: {  	s0 =	rddreg [dreg:$0x3];
	s4 =	simm.s32 $0x1  }
0xf: {  	[tilespmem:s2], [sflag:$0x1] =	stream.linear.gather [hbm4b:s0+s2], $0x400, $0x38;
	[tilespmem:$0x12C00] =	vst v63  }
0x10: {  	_ =	swait.ge [sflag:s4], $0x400  }
0x11: {  	[sflag:s4] =	ssyncset.done $0x0  }
0x12: {  	s12 =	simm.s32 $0xC00;
	[sflag:s4] =	ssyncadd.s32 $0xFFFFFC00  }
0x13: {  	[tilespmem:s12], [sflag:$0x2] =	stream.indirect.gather [hbm4b:s3+s11], $0x80, s2, s11, $0xb8;
	[tilespmem:$0x12C00] =	vst v63  }
0x14: {  	s13 =	simm.s32 $0x80;
	s5 =	simm.s32 $0x1800  }
0x15: {  	[tilespmem:s5], [sflag:$0x2] =	stream.indirect.gather [hbm4b:s3+s11], $0x80, s13, s11, $0xb8;
	[tilespmem:$0x12C00] =	vst v63  }
0x16: {  	s14 =	simm.s32 $0x100;
	s15 =	simm.s32 $0x2400  }
0x17: {  	[tilespmem:s15], [sflag:$0x2] =	stream.indirect.gather [hbm4b:s3+s11], $0x80, s14, s11, $0xb8;
	[tilespmem:$0x12C00] =	vst v63  }
0x18: {  	s16 =	simm.s32 $0x180;
	s17 =	simm.s32 $0x3000  }
0x19: {  	[tilespmem:s17], [sflag:$0x2] =	stream.indirect.gather [hbm4b:s3+s11], $0x80, s16, s11, $0xb8;
	[tilespmem:$0x12C00] =	vst v63  }
0x1a: {  	s18 =	simm.s32 $0x200;
	s19 =	simm.s32 $0x3C00  }
0x1b: {  	[tilespmem:s19], [sflag:$0x2] =	stream.indirect.gather [hbm4b:s3+s11], $0x80, s18, s11, $0xb8;
	[tilespmem:$0x12C00] =	vst v63  }
0x1c: {  	s20 =	simm.s32 $0x280;
	s21 =	simm.s32 $0x4800  }
0x1d: {  	[tilespmem:s21], [sflag:$0x2] =	stream.indirect.gather [hbm4b:s3+s11], $0x80, s20, s11, $0xb8;
	[tilespmem:$0x12C00] =	vst v63  }
0x1e: {  	s22 =	simm.s32 $0x300;
	s26 =	simm.s32 $0x5400  }
0x1f: {  	[tilespmem:s26], [sflag:$0x2] =	stream.indirect.gather [hbm4b:s3+s11], $0x80, s22, s11, $0xb8;
	[tilespmem:$0x12C00] =	vst v63  }
0x20: {  	s28 =	simm.s32 $0x380;
	s29 =	simm.s32 $0x6000  }
0x21: {  	[tilespmem:s29], [sflag:$0x2] =	stream.indirect.gather [hbm4b:s3+s11], $0x80, s28, s11, $0xb8;
	[tilespmem:$0x12C00] =	vst v63  }
0x22: {  	s6 =	simm.s32 $0x400;
	s5 =	rddreg [dreg:$0x4]  }
0x23: {  	[tilespmem:s6], [sflag:$0x1] =	stream.linear.gather [hbm4b:s5+s2], $0x400, $0x38;
	[tilespmem:$0x12C00] =	vst v63  }
0x24: {  	_ =	swait.ge [sflag:s4], $0x400  }
0x25: {  	[sflag:s4] =	ssyncset.done $0x0  }
0x26: {  	s7 =	simm.s32 $0x6C00;
	s8 =	simm.s32 $0x480;
	[sflag:s4] =	ssyncadd.s32 $0xFFFFFC00  }
0x27: {  	[tilespmem:s7], [sflag:$0x2] =	stream.indirect.gather [hbm4b:s3+s11], $0x80, s6, s11, $0xb8;
	[tilespmem:$0x12C00] =	vst v63  }
0x28: {  	s9 =	simm.s32 $0x7800;
	s10 =	simm.s32 $0x500;
	p0 =	por $0x0, $0x0  }
0x29: {  	[tilespmem:s9], [sflag:$0x2] =	stream.indirect.gather [hbm4b:s3+s11], $0x80, s8, s11, $0xb8;
	[tilespmem:$0x12C00] =	vst v63  }
0x2a: {  	s0 =	simm.s32 @!p0 $0x2;
	p1 =	por @!p0 $0x1, $0x1;
	s12 =	simm.s32 $0x8400  }
0x2b: {  	[tilespmem:s12], [sflag:$0x2] =	stream.indirect.gather [hbm4b:s3+s11], $0x80, s10, s11, $0xb8;
	[tilespmem:$0x12C00] =	vst v63  }
0x2c: {  	s0 =	sand.u32 @!p0 $0xFF, s0;
	s13 =	simm.s32 $0x580;
	s14 =	simm.s32 $0x9000  }
0x2d: {  	[tilespmem:s14], [sflag:$0x2] =	stream.indirect.gather [hbm4b:s3+s11], $0x80, s13, s11, $0xb8;
	[tilespmem:$0x12C00] =	vst v63  }
0x2e: {  	p1 =	por p1, p0;
	s15 =	simm.s32 $0x600;
	s16 =	simm.s32 $0x9C00  }
0x2f: {  	[tilespmem:s16], [sflag:$0x2] =	stream.indirect.gather [hbm4b:s3+s11], $0x80, s15, s11, $0xb8;
	[tilespmem:$0x12C00] =	vst v63  }
0x30: {  	s0 =	smul.u32 @!p0 $0xAB, s0;
	s17 =	simm.s32 $0x680;
	s18 =	simm.s32 $0xA800  }
0x31: {  	[tilespmem:s18], [sflag:$0x2] =	stream.indirect.gather [hbm4b:s3+s11], $0x80, s17, s11, $0xb8;
	[tilespmem:$0x12C00] =	vst v63  }
0x32: {  	s0 =	sshrl.u32 @!p0 s0, $0x9;
	s19 =	simm.s32 $0x700;
	s20 =	simm.s32 $0xB400  }
0x33: {  	[tilespmem:s20], [sflag:$0x2] =	stream.indirect.gather [hbm4b:s3+s11], $0x80, s19, s11, $0xb8;
	[tilespmem:$0x12C00] =	vst v63  }
0x34: {  	s0 =	smul.u32 @!p0 $0x3, s0;
	s21 =	simm.s32 $0x780;
	s22 =	simm.s32 $0xC000  }
0x35: {  	[tilespmem:s22], [sflag:$0x2] =	stream.indirect.gather [hbm4b:s3+s11], $0x80, s21, s11, $0xb8;
	[tilespmem:$0x12C00] =	vst v63  }
0x36: {  	s28 =	simm.s32 $0x800;
	s26 =	rddreg [dreg:$0x5];
	s8 =	simm.s32 @!p1 $0x3  }
0x37: {  	[tilespmem:s28], [sflag:$0x1] =	stream.linear.gather [hbm4b:s26+s2], $0x400, $0x38;
	[tilespmem:$0x12C00] =	vst v63  }
0x38: {  	s0 =	ssub.s32 @!p0 $0x2, s0;
	_ =	swait.ge @!p1 [sflag:s8], $0x5000  }
0x39: {  	s0 =	sand.u32 @!p0 $0xFF, s0;
	[sflag:s8] =	ssyncset.done @!p1 $0x0  }
0x3a: {  	s9 =	smul.u32 @!p0 $0x18000, s0;
	s12 =	simm.s32 @!p0 $0x1;
	[sflag:s8] =	ssyncadd.s32 @!p1 $0xFFFFB000  }
0x3b: {  	s0 =	sshll.u32 @!p0 s0, $0xA;
	_ =	swait.ge @!p0 [sflag:s12], $0x400  }
0x3c: {  	p1 =	por @!p0 $0x0, $0x0;
	s8 =	sshrl.u32 @!p0 s9, $0x2;
	[sflag:s12] =	ssyncset.done @!p0 $0x0  }
0x3d: {  	s9 =	simm.s32 @!p0 $0x14;
	s13 =	sor.u32 @!p0 $0xC00, s8;
	[sflag:s12] =	ssyncadd.s32 @!p0 $0xFFFFFC00  }
0x3e: {  	[tilespmem:s13], [sflag:$0x2] =	stream.indirect.gather @!p0 [hbm4b:s3+s9], $0x80, s0, s9, $0xb8;
	[tilespmem:$0x12C00] =	vst v63  }
0x3f: {  	p1 =	por p1, p0;
	s12 =	sor.u32 @!p0 $0x80, s0;
	s13 =	sor.u32 @!p0 $0x1800, s8  }
0x40: {  	[tilespmem:s13], [sflag:$0x2] =	stream.indirect.gather @!p0 [hbm4b:s3+s9], $0x80, s12, s9, $0xb8;
	[tilespmem:$0x12C00] =	vst v63  }
0x41: {  	s14 =	sor.u32 @!p0 $0x100, s0;
	s12 =	smul.u32 @!p1 $0xAB, s24;
	s13 =	sadd.s32 @!p0 $0x2400, s8  }
0x42: {  	[tilespmem:s13], [sflag:$0x2] =	stream.indirect.gather @!p0 [hbm4b:s3+s9], $0x80, s14, s9, $0xb8;
	[tilespmem:$0x12C00] =	vst v63  }
0x43: {  	s12 =	sshrl.u32 @!p1 s12, $0x9;
	s13 =	sadd.s32 @!p0 $0x3000, s8;
	s14 =	sor.u32 @!p0 $0x180, s0  }
0x44: {  	[tilespmem:s13], [sflag:$0x2] =	stream.indirect.gather @!p0 [hbm4b:s3+s9], $0x80, s14, s9, $0xb8;
	[tilespmem:$0x12C00] =	vst v63  }
0x45: {  	s12 =	sand.u32 @!p1 $0x7F, s12;
	s13 =	sor.u32 @!p0 $0x200, s0;
	s14 =	sadd.s32 @!p0 $0x3C00, s8  }
0x46: {  	[tilespmem:s14], [sflag:$0x2] =	stream.indirect.gather @!p0 [hbm4b:s3+s9], $0x80, s13, s9, $0xb8;
	[tilespmem:$0x12C00] =	vst v63  }
0x47: {  	s12 =	smul.u32 @!p1 $0x3, s12;
	s13 =	sadd.s32 @!p0 $0x4800, s8;
	s14 =	sor.u32 @!p0 $0x280, s0  }
0x48: {  	[tilespmem:s13], [sflag:$0x2] =	stream.indirect.gather @!p0 [hbm4b:s3+s9], $0x80, s14, s9, $0xb8;
	[tilespmem:$0x12C00] =	vst v63  }
0x49: {  	s12 =	ssub.s32 @!p1 $0x3, s12;
	s13 =	sadd.s32 @!p0 $0x5400, s8;
	s14 =	sor.u32 @!p0 $0x300, s0  }
0x4a: {  	[tilespmem:s13], [sflag:$0x2] =	stream.indirect.gather @!p0 [hbm4b:s3+s9], $0x80, s14, s9, $0xb8;
	[tilespmem:$0x12C00] =	vst v63  }
0x4b: {  	s12 =	sand.u32 @!p1 $0xFF, s12;
	s8 =	sadd.s32 @!p0 $0x6000, s8;
	s0 =	sor.u32 @!p0 $0x380, s0  }
0x4c: {  	[tilespmem:s8], [sflag:$0x2] =	stream.indirect.gather @!p0 [hbm4b:s3+s9], $0x80, s0, s9, $0xb8;
	[tilespmem:$0x12C00] =	vst v63  }
0x4d: {  	s4 =	rddreg [dreg:$0x7];
	s0 =	sshll.u32 @!p1 s12, $0xA;
	s8 =	simm.s32 @!p1 $0x0  }
0x4e: {  	[tilespmem:s0], [sflag:$0x1] =	stream.linear.gather @!p1 [hbm4b:s4+s8], $0x400, $0x38;
	[tilespmem:$0x12C00] =	vst v63  }
0x4f: {  	_ =	swait.ge [sflag:s23], $0xA00  }
0x50: {  	[sflag:s23] =	ssyncset.done $0x0  }
0x51: {  	[sflag:s23] =	ssyncadd.s32 $0xFFFFF600  }
0x52: {  	_ =	swait.ge [sflag:s23], $0xA00  }
0x53: {  	s29 =	simm.s32 $0x0;
	[sflag:s23] =	ssyncset.done $0x0  }
0x54: {  	s0 =	smul.u32 $0xAB, s29;
	[sflag:s23] =	ssyncadd.s32 $0xFFFFF600  }
0x55: {  	_ =	swait.ge [sflag:s23], $0xA00  }
0x56: {  	s30 =	simm.s32 $0x4;
	s0 =	sshrl.u32 s0, $0x9;
	[sflag:s23] =	ssyncset.done $0x0  }
0x57: {  	s31 =	simm.s32 $0x5;
	s0 =	sand.u32 $0x7F, s0;
	[sflag:s23] =	ssyncadd.s32 $0xFFFFF600  }
0x58: {  	s26 =	sadd.s32 $0xC00, s1;
	s0 =	smul.u32 $0x3, s0;
	_ =	swait.ge [sflag:s23], $0xA00  }
0x59: {  	s12 =	sadd.s32 $0x900, s1;
	s9 =	smov.u32 s1;
	[sflag:s23] =	ssyncset.done $0x0  }
0x5a: {  	s8 =	smov.u32 s4;
	s0 =	ssub.s32 $0x0, s0;
	[sflag:s23] =	ssyncadd.s32 $0xFFFFF600  }
0x5b: {  	s15 =	sand.u32 $0xFF, s0;
	s0 =	sadd.s32 $0xA80, s1;
	_ =	swait.ge [sflag:s23], $0xA00  }
.LBB2_2:
0x5c: {  	[sflag:s23] =	ssyncset.done $0x0  }
0x5d: {  	s8 =	sadd.s32 $0x80, s8;
	s13 =	smov.u32 s31;
	s31 =	sadd.s32 $0x1, s31  }
0x5e: {  	s16 =	sadd.s32 $0x780, s9;
	p0 =	sne.s32 s31, $0x43;
	[sflag:s23] =	ssyncadd.s32 $0xFFFFF600  }
0x5f: {  	s17 =	sadd.s32 $0x480, s9;
	s18 =	sadd.s32 $0x600, s9;
	_ =	swait.ge [sflag:s23], $0xA00  }
0x60: {  	s14 =	sadd.s32 $0xFFFFFFFD, s30;
	s15 =	smul.u32 $0x18000, s15;
	[sflag:s23] =	ssyncset.done $0x0  }
0x61: {  	s20 =	sadd.s32 $0x300, s9;
	s19 =	smul.u32 $0xAB, s14;
	[sflag:s23] =	ssyncadd.s32 $0xFFFFF600  }
0x62: {  	s21 =	sadd.s32 $0x180, s9;
	s15 =	sshrl.u32 s15, $0x2;
	_ =	swait.ge [sflag:s23], $0xA00  }
0x63: {  	p1 =	sgt.u32 s14, $0x3D;
	s22 =	sadd.s32 $0x5400, s15;
	[sflag:s23] =	ssyncset.done $0x0  }
0x64: {  	p3 =	seq.s32 @!p1 s30, $0x3;
	s5 =	sadd.s32 @!p1 $0x2, s14;
	[sflag:s23] =	ssyncadd.s32 $0xFFFFF600  }
0x65: {  	p2 =	seq.s32 @!p1 s30, $0x40;
	s6 =	sand.u32 @!p1 $0xFF, s5;
	_ =	swait.ge [sflag:s23], $0xA00  }
0x66: {  	p2 =	por p2, p1;
	s6 =	smul.u32 @!p1 $0xAB, s6;
	[sflag:s23] =	ssyncset.done $0x0  }
0x67: {  	s7 =	sor.u32 $0xC00, s15;
	s28 =	sor.u32 $0x1800, s15;
	[sflag:s23] =	ssyncadd.s32 $0xFFFFF600  }
0x68: {  	[hbm4b:s9+s2] =	stream.linear.scatter [tilespmem:s7], [sflag:$0x3], $0xA00, $0x38;
	[tilespmem:$0x12C00] =	vst v63  }
0x69: {  	s6 =	sshrl.u32 @!p1 s6, $0x9;
	s7 =	smul.u32 @!p2 $0xAB, s30;
	s9 =	sadd.s32 $0x2400, s15  }
0x6a: {  	[hbm4b:s21+s2] =	stream.linear.scatter [tilespmem:s28], [sflag:$0x3], $0xA00, $0x38;
	[tilespmem:$0x12C00] =	vst v63  }
0x6b: {  	s6 =	smul.u32 @!p1 $0x3, s6;
	s7 =	sshrl.u32 @!p2 s7, $0x9;
	s21 =	sadd.s32 $0x3000, s15  }
0x6c: {  	[hbm4b:s20+s2] =	stream.linear.scatter [tilespmem:s9], [sflag:$0x3], $0xA00, $0x38;
	[tilespmem:$0x12C00] =	vst v63  }
0x6d: {  	s5 =	ssub.s32 @!p1 s5, s6;
	s6 =	sand.u32 @!p2 $0x7F, s7;
	s7 =	sadd.s32 $0x3C00, s15  }
0x6e: {  	[hbm4b:s17+s2] =	stream.linear.scatter [tilespmem:s21], [sflag:$0x3], $0xA00, $0x38;
	[tilespmem:$0x12C00] =	vst v63  }
0x6f: {  	s5 =	sand.u32 @!p1 $0xFF, s5;
	s6 =	smul.u32 @!p2 $0x3, s6;
	s9 =	sadd.s32 $0x4800, s15  }
0x70: {  	[hbm4b:s18+s2] =	stream.linear.scatter [tilespmem:s7], [sflag:$0x3], $0xA00, $0x38;
	[tilespmem:$0x12C00] =	vst v63  }
0x71: {  	s17 =	smul.u32 @!p1 $0x18000, s5;
	s6 =	ssub.s32 @!p2 s30, s6;
	s7 =	sshrl.u32 s19, $0x9  }
0x72: {  	[hbm4b:s16+s2] =	stream.linear.scatter [tilespmem:s9], [sflag:$0x3], $0xA00, $0x38;
	[tilespmem:$0x12C00] =	vst v63  }
0x73: {  	s15 =	sadd.s32 $0x6000, s15;
	s6 =	sand.u32 @!p2 $0xFF, s6;
	s9 =	simm.s32 @!p1 $0x1  }
0x74: {  	[hbm4b:s12+s2] =	stream.linear.scatter [tilespmem:s22], [sflag:$0x3], $0xA00, $0x38;
	[tilespmem:$0x12C00] =	vst v63  }
0x75: {  	p3 =	por p3, p1;
	s5 =	sshll.u32 @!p1 s5, $0xA;
	s12 =	sshrl.u32 @!p1 s17, $0x2  }
0x76: {  	s16 =	simm.s32 @!p3 $0x3;
	s17 =	sor.u32 @!p1 $0x80, s5;
	s18 =	sadd.s32 @!p1 $0x2400, s12  }
0x77: {  	[hbm4b:s0+s2] =	stream.linear.scatter [tilespmem:s15], [sflag:$0x3], $0xA00, $0x38;
	[tilespmem:$0x12C00] =	vst v63  }
0x78: {  	s19 =	sadd.s32 @!p1 $0x4800, s12;
	s0 =	sor.u32 @!p1 $0x200, s5;
	_ =	swait.ge @!p3 [sflag:s16], $0x5000  }
0x79: {  	s20 =	sor.u32 @!p1 $0x280, s5;
	s21 =	sadd.s32 @!p1 $0x5400, s12;
	[sflag:s16] =	ssyncset.done @!p3 $0x0  }
0x7a: {  	s22 =	sadd.s32 @!p1 $0x6000, s12;
	[sflag:s16] =	ssyncadd.s32 @!p3 $0xFFFFB000;
	s16 =	sor.u32 @!p1 $0x300, s5  }
0x7b: {  	s28 =	simm.s32 @!p1 $0x14;
	s4 =	sor.u32 @!p1 $0x380, s5;
	_ =	swait.ge @!p1 [sflag:s9], $0x400  }
0x7c: {  	s30 =	sor.u32 @!p1 $0x1800, s12;
	s15 =	sor.u32 @!p1 $0xC00, s12;
	[sflag:s9] =	ssyncset.done @!p1 $0x0  }
0x7d: {  	s29 =	sor.u32 @!p1 $0x100, s5;
	s10 =	sadd.s32 @!p1 $0x3000, s12;
	[sflag:s9] =	ssyncadd.s32 @!p1 $0xFFFFFC00  }
0x7e: {  	[tilespmem:s15], [sflag:$0x2] =	stream.indirect.gather @!p1 [hbm4b:s3+s28], $0x80, s5, s28, $0xb8;
	[tilespmem:$0x12C00] =	vst v63  }
0x7f: {  	s6 =	sshll.u32 @!p2 s6, $0xA;
	s12 =	sadd.s32 @!p1 $0x3C00, s12;
	s5 =	sor.u32 @!p1 $0x180, s5  }
0x80: {  	[tilespmem:s30], [sflag:$0x2] =	stream.indirect.gather @!p1 [hbm4b:s3+s28], $0x80, s17, s28, $0xb8;
	[tilespmem:$0x12C00] =	vst v63  }
0x81: {  	s7 =	sand.u32 $0x7F, s7;
	s9 =	smov.u32 s26;
	s30 =	smov.u32 s13  }
0x82: {  	[tilespmem:s18], [sflag:$0x2] =	stream.indirect.gather @!p1 [hbm4b:s3+s28], $0x80, s29, s28, $0xb8;
	[tilespmem:$0x12C00] =	vst v63  }
0x83: {  	s7 =	smul.u32 $0x3, s7  }
0x84: {  	[tilespmem:s10], [sflag:$0x2] =	stream.indirect.gather @!p1 [hbm4b:s3+s28], $0x80, s5, s28, $0xb8;
	[tilespmem:$0x12C00] =	vst v63  }
0x85: {  	s5 =	ssub.s32 s14, s7  }
0x86: {  	[tilespmem:s12], [sflag:$0x2] =	stream.indirect.gather @!p1 [hbm4b:s3+s28], $0x80, s0, s28, $0xb8;
	[tilespmem:$0x12C00] =	vst v63  }
0x87: {  	s15 =	sand.u32 $0xFF, s5  }
0x88: {  	[tilespmem:s19], [sflag:$0x2] =	stream.indirect.gather @!p1 [hbm4b:s3+s28], $0x80, s20, s28, $0xb8;
	[tilespmem:$0x12C00] =	vst v63  }
0x89: {  	_ = 	snop  }
0x8a: {  	[tilespmem:s21], [sflag:$0x2] =	stream.indirect.gather @!p1 [hbm4b:s3+s28], $0x80, s16, s28, $0xb8;
	[tilespmem:$0x12C00] =	vst v63  }
0x8b: {  	_ = 	snop  }
0x8c: {  	[tilespmem:s22], [sflag:$0x2] =	stream.indirect.gather @!p1 [hbm4b:s3+s28], $0x80, s4, s28, $0xb8;
	[tilespmem:$0x12C00] =	vst v63  }
0x8d: {  	s0 =	simm.s32 @!p2 $0x0  }
0x8e: {  	[tilespmem:s6], [sflag:$0x1] =	stream.linear.gather @!p2 [hbm4b:s8+s0], $0x400, $0x38;
	[tilespmem:$0x12C00] =	vst v63  }
0x8f: {  	_ =	swait.ge [sflag:s23], $0xA00  }
0x90: {  	[sflag:s23] =	ssyncset.done $0x0  }
0x91: {  	[sflag:s23] =	ssyncadd.s32 $0xFFFFF600  }
0x92: {  	_ =	swait.ge [sflag:s23], $0xA00  }
0x93: {  	[sflag:s23] =	ssyncset.done $0x0  }
0x94: {  	[sflag:s23] =	ssyncadd.s32 $0xFFFFF600  }
0x95: {  	_ =	swait.ge [sflag:s23], $0xA00  }
0x96: {  	[sflag:s23] =	ssyncset.done $0x0  }
.Ltmp0:
0x97: {  	[sflag:s23] =	ssyncadd.s32 $0xFFFFF600;
	(pc) =	sbr.rel @p0 .LBB2_2-.Ltmp0, $4  }
0x98: {  	_ =	swait.ge [sflag:s23], $0xA00  }
0x99: {  	[sflag:s23] =	ssyncset.done $0x0  }
0x9a: {  	s0 =	sadd.s32 $0xA80, s26;
	[sflag:s23] =	ssyncadd.s32 $0xFFFFF600  }
0x9b: {  	s12 =	sadd.s32 $0x900, s9;
	s26 =	sadd.s32 $0xC00, s26;
	_ =	swait.ge [sflag:s23], $0xA00  }
0x9c: {  	[sflag:s23] =	ssyncset.done $0x0  }
0x9d: {  	[sflag:s23] =	ssyncadd.s32 $0xFFFFF600  }
0x9e: {  	_ =	swait.ge [sflag:s23], $0xA00  }
0x9f: {  	[sflag:s23] =	ssyncset.done $0x0  }
0xa0: {  	[sflag:s23] =	ssyncadd.s32 $0xFFFFF600  }
0xa1: {  	_ =	swait.ge [sflag:s23], $0xA00  }
0xa2: {  	[sflag:s23] =	ssyncset.done $0x0  }
0xa3: {  	s4 =	smul.u32 $0x18000, s15;
	[sflag:s23] =	ssyncadd.s32 $0xFFFFF600  }
0xa4: {  	_ =	swait.ge [sflag:s23], $0xA00  }
0xa5: {  	s4 =	sshrl.u32 s4, $0x2;
	[sflag:s23] =	ssyncset.done $0x0  }
0xa6: {  	s18 =	sadd.s32 $0x180, s9;
	s5 =	sor.u32 $0xC00, s4;
	[sflag:s23] =	ssyncadd.s32 $0xFFFFF600  }
0xa7: {  	[hbm4b:s9+s2] =	stream.linear.scatter [tilespmem:s5], [sflag:$0x3], $0xA00, $0x38;
	[tilespmem:$0x12C00] =	vst v63  }
0xa8: {  	s19 =	sadd.s32 $0x300, s9;
	s13 =	sadd.s32 $0xFFFFFFFD, s30;
	s6 =	sor.u32 $0x1800, s4  }
0xa9: {  	[hbm4b:s18+s2] =	stream.linear.scatter [tilespmem:s6], [sflag:$0x3], $0xA00, $0x38;
	[tilespmem:$0x12C00] =	vst v63  }
0xaa: {  	s21 =	sadd.s32 $0x480, s9;
	p0 =	sgt.u32 s13, $0x3D;
	s20 =	sadd.s32 $0x2400, s4  }
0xab: {  	[hbm4b:s19+s2] =	stream.linear.scatter [tilespmem:s20], [sflag:$0x3], $0xA00, $0x38;
	[tilespmem:$0x12C00] =	vst v63  }
0xac: {  	s28 =	sadd.s32 $0x600, s9;
	s22 =	sadd.s32 $0x3000, s4;
	s6 =	sadd.s32 @!p0 $0x2, s13  }
0xad: {  	[hbm4b:s21+s2] =	stream.linear.scatter [tilespmem:s22], [sflag:$0x3], $0xA00, $0x38;
	[tilespmem:$0x12C00] =	vst v63  }
0xae: {  	s31 =	sadd.s32 $0x780, s9;
	s29 =	sadd.s32 $0x3C00, s4;
	s5 =	sand.u32 @!p0 $0xFF, s6  }
0xaf: {  	[hbm4b:s28+s2] =	stream.linear.scatter [tilespmem:s29], [sflag:$0x3], $0xA00, $0x38;
	[tilespmem:$0x12C00] =	vst v63  }
0xb0: {  	p1 =	seq.s32 @!p0 s30, $0x3;
	s7 =	sadd.s32 $0x4800, s4;
	s5 =	smul.u32 @!p0 $0xAB, s5  }
0xb1: {  	[hbm4b:s31+s2] =	stream.linear.scatter [tilespmem:s7], [sflag:$0x3], $0xA00, $0x38;
	[tilespmem:$0x12C00] =	vst v63  }
0xb2: {  	p1 =	por p1, p0;
	s9 =	sadd.s32 $0x5400, s4;
	s5 =	sshrl.u32 @!p0 s5, $0x9  }
0xb3: {  	[hbm4b:s12+s2] =	stream.linear.scatter [tilespmem:s9], [sflag:$0x3], $0xA00, $0x38;
	[tilespmem:$0x12C00] =	vst v63  }
0xb4: {  	s4 =	sadd.s32 $0x6000, s4;
	s5 =	smul.u32 @!p0 $0x3, s5;
	s7 =	simm.s32 @!p1 $0x3  }
0xb5: {  	[hbm4b:s0+s2] =	stream.linear.scatter [tilespmem:s4], [sflag:$0x3], $0xA00, $0x38;
	[tilespmem:$0x12C00] =	vst v63  }
0xb6: {  	s0 =	ssub.s32 @!p0 s6, s5;
	_ =	swait.ge @!p1 [sflag:s7], $0x5000  }
0xb7: {  	s0 =	sand.u32 @!p0 $0xFF, s0;
	[sflag:s7] =	ssyncset.done @!p1 $0x0  }
0xb8: {  	s5 =	simm.s32 @!p0 $0x1;
	s4 =	smul.u32 @!p0 $0x18000, s0;
	[sflag:s7] =	ssyncadd.s32 @!p1 $0xFFFFB000  }
0xb9: {  	_ =	swait.ge @!p0 [sflag:s5], $0x400  }
0xba: {  	s6 =	simm.s32 @!p0 $0x14;
	s4 =	sshrl.u32 @!p0 s4, $0x2;
	[sflag:s5] =	ssyncset.done @!p0 $0x0  }
0xbb: {  	s0 =	sshll.u32 @!p0 s0, $0xA;
	s7 =	sor.u32 @!p0 $0xC00, s4;
	[sflag:s5] =	ssyncadd.s32 @!p0 $0xFFFFFC00  }
0xbc: {  	[tilespmem:s7], [sflag:$0x2] =	stream.indirect.gather @!p0 [hbm4b:s3+s6], $0x80, s0, s6, $0xb8;
	[tilespmem:$0x12C00] =	vst v63  }
0xbd: {  	s5 =	sor.u32 @!p0 $0x80, s0;
	s7 =	sor.u32 @!p0 $0x1800, s4  }
0xbe: {  	[tilespmem:s7], [sflag:$0x2] =	stream.indirect.gather @!p0 [hbm4b:s3+s6], $0x80, s5, s6, $0xb8;
	[tilespmem:$0x12C00] =	vst v63  }
0xbf: {  	s5 =	sadd.s32 @!p0 $0x2400, s4;
	s7 =	sor.u32 @!p0 $0x100, s0  }
0xc0: {  	[tilespmem:s5], [sflag:$0x2] =	stream.indirect.gather @!p0 [hbm4b:s3+s6], $0x80, s7, s6, $0xb8;
	[tilespmem:$0x12C00] =	vst v63  }
0xc1: {  	s5 =	sadd.s32 @!p0 $0x3000, s4;
	s7 =	sor.u32 @!p0 $0x180, s0  }
0xc2: {  	[tilespmem:s5], [sflag:$0x2] =	stream.indirect.gather @!p0 [hbm4b:s3+s6], $0x80, s7, s6, $0xb8;
	[tilespmem:$0x12C00] =	vst v63  }
0xc3: {  	p1 =	seq.s32 @!p0 s30, $0x40;
	s5 =	sor.u32 @!p0 $0x200, s0;
	s7 =	sadd.s32 @!p0 $0x3C00, s4  }
0xc4: {  	[tilespmem:s7], [sflag:$0x2] =	stream.indirect.gather @!p0 [hbm4b:s3+s6], $0x80, s5, s6, $0xb8;
	[tilespmem:$0x12C00] =	vst v63  }
0xc5: {  	p1 =	por p1, p0;
	s5 =	sadd.s32 @!p0 $0x4800, s4;
	s7 =	sor.u32 @!p0 $0x280, s0  }
0xc6: {  	[tilespmem:s5], [sflag:$0x2] =	stream.indirect.gather @!p0 [hbm4b:s3+s6], $0x80, s7, s6, $0xb8;
	[tilespmem:$0x12C00] =	vst v63  }
0xc7: {  	s9 =	sor.u32 @!p0 $0x300, s0;
	s5 =	smul.u32 @!p1 $0xAB, s30;
	s7 =	sadd.s32 @!p0 $0x5400, s4  }
0xc8: {  	[tilespmem:s7], [sflag:$0x2] =	stream.indirect.gather @!p0 [hbm4b:s3+s6], $0x80, s9, s6, $0xb8;
	[tilespmem:$0x12C00] =	vst v63  }
0xc9: {  	s5 =	sshrl.u32 @!p1 s5, $0x9  }
0xca: {  	s5 =	sand.u32 @!p1 $0x7F, s5  }
0xcb: {  	s0 =	sor.u32 @!p0 $0x380, s0;
	s4 =	sadd.s32 @!p0 $0x6000, s4;
	s5 =	smul.u32 @!p1 $0x3, s5  }
0xcc: {  	[tilespmem:s4], [sflag:$0x2] =	stream.indirect.gather @!p0 [hbm4b:s3+s6], $0x80, s0, s6, $0xb8;
	[tilespmem:$0x12C00] =	vst v63  }
0xcd: {  	s0 =	ssub.s32 @!p1 s30, s5  }
0xce: {  	s0 =	sand.u32 @!p1 $0xFF, s0  }
0xcf: {  	s4 =	sadd.s32 $0x80, s8;
	s5 =	simm.s32 @!p1 $0x0;
	s0 =	sshll.u32 @!p1 s0, $0xA  }
0xd0: {  	[tilespmem:s0], [sflag:$0x1] =	stream.linear.gather @!p1 [hbm4b:s4+s5], $0x400, $0x38;
	[tilespmem:$0x12C00] =	vst v63  }
0xd1: {  	_ =	swait.ge [sflag:s23], $0xA00  }
0xd2: {  	[sflag:s23] =	ssyncset.done $0x0  }
0xd3: {  	[sflag:s23] =	ssyncadd.s32 $0xFFFFF600  }
0xd4: {  	_ =	swait.ge [sflag:s23], $0xA00  }
0xd5: {  	[sflag:s23] =	ssyncset.done $0x0  }
0xd6: {  	[sflag:s23] =	ssyncadd.s32 $0xFFFFF600  }
0xd7: {  	_ =	swait.ge [sflag:s23], $0xA00  }
0xd8: {  	[sflag:s23] =	ssyncset.done $0x0  }
0xd9: {  	[sflag:s23] =	ssyncadd.s32 $0xFFFFF600  }
0xda: {  	_ =	swait.ge [sflag:s23], $0xA00  }
0xdb: {  	[sflag:s23] =	ssyncset.done $0x0  }
0xdc: {  	[sflag:s23] =	ssyncadd.s32 $0xFFFFF600  }
0xdd: {  	s10 =	smul.u32 $0xAB, s13;
	_ =	swait.ge [sflag:s23], $0xA00  }
0xde: {  	[sflag:s23] =	ssyncset.done $0x0  }
0xdf: {  	s0 =	sshrl.u32 s10, $0x9;
	[sflag:s23] =	ssyncadd.s32 $0xFFFFF600  }
0xe0: {  	s0 =	sand.u32 $0x7F, s0;
	_ =	swait.ge [sflag:s23], $0xA00  }
0xe1: {  	s0 =	smul.u32 $0x3, s0;
	[sflag:s23] =	ssyncset.done $0x0  }
0xe2: {  	[sflag:s23] =	ssyncadd.s32 $0xFFFFF600  }
0xe3: {  	s0 =	ssub.s32 s13, s0;
	_ =	swait.ge [sflag:s23], $0xA00  }
0xe4: {  	s0 =	sand.u32 $0xFF, s0;
	[sflag:s23] =	ssyncset.done $0x0  }
0xe5: {  	s0 =	smul.u32 $0x18000, s0;
	[sflag:s23] =	ssyncadd.s32 $0xFFFFF600  }
0xe6: {  	_ =	swait.ge [sflag:s23], $0xA00  }
0xe7: {  	s0 =	sshrl.u32 s0, $0x2;
	[sflag:s23] =	ssyncset.done $0x0  }
0xe8: {  	s12 =	sor.u32 $0xC00, s0;
	[sflag:s23] =	ssyncadd.s32 $0xFFFFF600  }
0xe9: {  	[hbm4b:s26+s2] =	stream.linear.scatter [tilespmem:s12], [sflag:$0x3], $0xA00, $0x38;
	[tilespmem:$0x12C00] =	vst v63  }
0xea: {  	s13 =	sadd.s32 $0x180, s26;
	s14 =	sor.u32 $0x1800, s0  }
0xeb: {  	[hbm4b:s13+s2] =	stream.linear.scatter [tilespmem:s14], [sflag:$0x3], $0xA00, $0x38;
	[tilespmem:$0x12C00] =	vst v63  }
0xec: {  	s15 =	sadd.s32 $0x300, s26;
	s16 =	sadd.s32 $0x2400, s0  }
0xed: {  	[hbm4b:s15+s2] =	stream.linear.scatter [tilespmem:s16], [sflag:$0x3], $0xA00, $0x38;
	[tilespmem:$0x12C00] =	vst v63  }
0xee: {  	s17 =	sadd.s32 $0x480, s26;
	s18 =	sadd.s32 $0x3000, s0  }
0xef: {  	[hbm4b:s17+s2] =	stream.linear.scatter [tilespmem:s18], [sflag:$0x3], $0xA00, $0x38;
	[tilespmem:$0x12C00] =	vst v63  }
0xf0: {  	s19 =	sadd.s32 $0x600, s26;
	s20 =	sadd.s32 $0x3C00, s0  }
0xf1: {  	[hbm4b:s19+s2] =	stream.linear.scatter [tilespmem:s20], [sflag:$0x3], $0xA00, $0x38;
	[tilespmem:$0x12C00] =	vst v63  }
0xf2: {  	s21 =	sadd.s32 $0x780, s26;
	s22 =	sadd.s32 $0x4800, s0  }
0xf3: {  	[hbm4b:s21+s2] =	stream.linear.scatter [tilespmem:s22], [sflag:$0x3], $0xA00, $0x38;
	[tilespmem:$0x12C00] =	vst v63  }
0xf4: {  	s28 =	sadd.s32 $0x900, s26;
	s29 =	sadd.s32 $0x5400, s0  }
0xf5: {  	[hbm4b:s28+s2] =	stream.linear.scatter [tilespmem:s29], [sflag:$0x3], $0xA00, $0x38;
	[tilespmem:$0x12C00] =	vst v63  }
0xf6: {  	s30 =	sadd.s32 $0xA80, s26;
	s0 =	sadd.s32 $0x6000, s0  }
0xf7: {  	[hbm4b:s30+s2] =	stream.linear.scatter [tilespmem:s0], [sflag:$0x3], $0xA00, $0x38;
	[tilespmem:$0x12C00] =	vst v63  }
0xf8: {  	_ =	swait.ge [sflag:s24], $0x5000  }
0xf9: {  	[sflag:s24] =	ssyncset.done $0x0  }
0xfa: {  	[sflag:s24] =	ssyncadd.s32 $0xFFFFB000  }
0xfb: {  	_ =	swait.ge [sflag:s24], $0x5000  }
0xfc: {  	[sflag:s24] =	ssyncset.done $0x0  }
0xfd: {  	[sflag:s24] =	ssyncadd.s32 $0xFFFFB000  }
0xfe: {  	_ =	swait.ge [sflag:s24], $0x5000  }
0xff: {  	s25 =	sadd.s32 $0x1, s25;
	s31 =	rddreg [dreg:$0x6]  }
0x100: {  	p0 =	sne.s32 s25, s31  }
.Ltmp1:
0x101: {  	_ = 	snop;
	(pc) =	sbr.rel @p0 .LBB2_1-.Ltmp1, $3  }
0x102: {  	_ =	sdelay $0x1  }
0x103: {  	[sflag:s24] =	ssyncset.done $0x0  }
0x104: {  	[sflag:s24] =	ssyncadd.s32 $0xFFFFB000  }
0x105: {  	_ =	sfence.sel $0x180000  }
0x106: {  	[bflag:$0x0] =	sbarrier.arrive $0xFFFF  }
0x107: {  	_ =	strace $0x90000047  }
0x108: {  	s0 =	stileid.u32;
	[bflag:$0x2] =	sbarrier.arrive $0xFFFF  }
0x109: {  	p0 =	sne.s32 s0, $0x0;
	s0 =	rddreg [dreg:$0x2]  }
0x10a: {  	s0 =	sadd.s32 @!p0 $0x100000, s0  }
0x10b: {  	[sflag:s0] =	ssyncadd.tile.s32 @!p0 $0x1;
	_ =	shalt  }
.Lfunc_end2:
_tile_overlayer_lowered:
.L_overlay_start_2:
0x10c: {  	(tag) =	ssettag $0x2  }
0x10d: {  	s0 =	rddreg [dreg:$0x0];
	s2 =	stileid.u32  }
0x10e: {  	s1 =	rddreg [dreg:$0x1];
	p0 =	sne.s32 s2, $0x0  }
0x10f: {  	s3 =	rddreg [dreg:$0x2];
	[bflag:$0x3] =	sbarrier.arrive $0xFFFF;
	s2 =	simm.s32 @!p0 $0x1C04  }
0x110: {  	[timem:s3], [sflag:s2] =	dma.local @!p0 [hbm:s0], s1  }
0x111: {  	s0 =	simm.s32 @!p0 $0x4  }
0x112: {  	_ =	swait.ge @!p0 [sflag:s0], s1  }
0x113: {  	s1 =	ssub.s32 @!p0 $0x0, s1;
	[sflag:s0] =	ssyncset.done @!p0 $0x0  }
0x114: {  	[sflag:s0] =	ssyncadd.s32 @!p0 s1  }
0x115: {  	[bflag:$0x3] =	sbarrier.arrive $0xFFFF  }
0x116: {  	_ =	shalt  }

// kernel: sparse-core-data-format-call.cloned.1.call-start
scs
called_computation_lowered:
.L_overlay_start_0:
0x0: {  	s2 =	sld [smem:$0x3FD9]  }
0x1: {  	s3 =	sld [smem:$0x3FFE];
	_ =	sdelay $0x1  }
0x2: {  	s1 =	srdreg.scid  }
0x3: {  	s0 =	sand.u32 $0x1, s1  }
0x4: {  	s18 =	sshll.u32 s0, $0xA;
	s2 =	sadd.s32 s3, s2  }
0x5: {  	s2 =	sadd.s32 s2, s18  }
0x6: {  	[smem:$0x3FC6] =	sst s2  }
0x7: {  	_ = 	snop  }
0x8: {  	s2 =	sld [smem:$0x3FD0];
	(tm) =	ssettm $0x1  }
0x9: {  	s19 =	sld [smem:$0x3FFB];
	_ =	sdelay $0x3  }
0xa: {  	_ =	strace s19  }
0xb: {  	s3 =	sld [smem:$0x3FFC];
	_ =	sdelay $0x3  }
0xc: {  	_ =	strace s3  }
0xd: {  	s3 =	sld [smem:$0x3FFD];
	_ =	sdelay $0x3  }
0xe: {  	_ =	strace s3  }
0xf: {  	_ =	strace $0x8FFFFFFF  }
0x10: {  	s20 =	sld [smem:$0x3FDB];
	_ =	sdelay $0x1  }
0x11: {  	s4 =	simm.s32 $_scs_section_size  }
0x12: {  	s5 =	simm.s32 $_size__tile_overlayer_lowered;
	s6 =	simm.s32 $_tile_overlayer_lowered  }
0x13: {  	s23 =	simm.s32 $0x1BFF;
	s22 =	sshll.u32 s6, $0x1;
	s3 =	sadd.s32 s4, s20  }
0x14: {  	s7 =	simm.s32 $0x0;
	s21 =	sshll.u32 s5, $0x1;
	s5 =	sadd.s32 s22, s3  }
0x15: {  	[timem:s7], [sflag:s23] =	dma.local [hbm:s5], s21  }
0x16: {  	_ =	swait.ge [sflag:s23], s21  }
0x17: {  	s4 =	ssub.s32 $0x0, s21;
	[sflag:s23] =	ssyncset.done $0x0  }
0x18: {  	[sflag:s23] =	ssyncadd.s32 s4;
	_ =	sdelay $0x1  }
0x19: {  	s24 =	simm.s32 $0x1B8B  }
0x1a: {  	_ =	swait.ge [sflag:s24], $0x1  }
0x1b: {  	[sflag:s24] =	ssyncset.done $0x0  }
0x1c: {  	s26 =	simm.s32 $0x1B8E;
	s25 =	sld [smem:$0x3FFE];
	[sflag:s24] =	ssyncadd.s32 $0xFFFFFFFF  }
0x1d: {  	s27 =	simm.s32 $execute0_lowered;
	[smem:$0x3FD2] =	sst s26  }
0x1e: {  	s5 =	sshll.u32 s27, $0x1;
	_ =	strace $0x80000049;
	[dreg:$0x1] =	wrdreg $0xFFFFFFFF  }
0x1f: {  	s28 =	simm.s32 $_size_execute0_lowered;
	s3 =	sadd.s32 s3, s5;
	[dreg:$0x0] =	wrdreg $0x0  }
0x20: {  	s5 =	sshll.u32 s28, $0x1;
	[dreg:$0x2] =	wrdreg s3  }
0x21: {  	[dreg:$0x3] =	wrdreg s5  }
0x22: {  	[dreg:$0x4] =	wrdreg $0xC0  }
0x23: {  	_ =	task [dreg:s7], $0x5FFFF  }
0x24: {  	[dreg:$0x1] =	wrdreg $0xFFFFFFFF  }
0x25: {  	[dreg:$0x0] =	wrdreg $0x60  }
0x26: {  	[dreg:$0x2] =	wrdreg s25  }
0x27: {  	[dreg:$0x3] =	wrdreg s2  }
0x28: {  	[dreg:$0x4] =	wrdreg $0x9  }
0x29: {  	_ =	task.clear_ibuf [dreg:s7], $0x5FFFF;
	_ =	strace $0x90000049  }
0x2a: {  	s29 =	simm.s32 $0x9;
	_ =	strace $0x8000004B  }
0x2b: {  	_ =	swait.ge [sflag:s29], $0x1  }
0x2c: {  	[sflag:s29] =	ssyncadd.s32 $0xFFFFFFFF  }
0x2d: {  	_ =	strace $0x9000004B  }
0x2e: {  	_ =	sfence  }
0x2f: {  	s30 =	sld [smem:$0x0];
	_ =	sdelay $0x2  }
0x30: {  	s31 =	sshll.u32 s1, $0xD;
	s1 =	sshrl.u32 s1, $0x2  }
0x31: {  	s3 =	sand.u32 $0x4000, s31;
	s1 =	sadd.s32 s1, s30  }
0x32: {  	s0 =	sor.u32 s3, s0;
	s1 =	sshll.u32 s1, $0x11  }
0x33: {  	s0 =	sor.u32 s1, s0  }
0x34: {  	s0 =	sadd.s32 $0x8F2B, s0  }
0x35: {  	[sflag:s0] =	ssyncadd.remote.s32 $0x1  }
0x36: {  	_ =	sfence.sel $0xFFFF  }
0x37: {  	[dreg:$0x0] =	wrdreg $0xFFFFFFFF;
	(pc) =	sbr.abs _section_cstart, $3  }
0x38: {  	[dreg:$0x1] =	wrdreg $0xFFFFFFFF  }
0x39: {  	_ =	task.clear_ibuf [dreg:s7], $0x2FFFF;
	_ =	strace $0x9FFFFFFF  }
0x3a: {  	(tm) =	ssettm $0x7FFFFFFF  }
0x3b: {  	_ =	shalt  }
tec
execute0_lowered:
.L_overlay_start_1:
0x0: {  	(tag) =	ssettag $0x1  }
0x1: {  	s0 =	srdreg.scid  }
0x2: {  	s1 =	sshll.u32 s0, $0x4  }
0x3: {  	s0 =	stileid.u32;
	s1 =	sand.u32 $0x10, s1  }
0x4: {  	s1 =	sor.u32 s0, s1  }
0x5: {  	s6 =	rddreg [dreg:$0x0];
	s4 =	simm.s32 $0x1;
	s2 =	sshll.u32 s1, $0x7  }
0x6: {  	s7 =	simm.s32 $0x2;
	s12 =	simm.s32 $0x0;
	s1 =	ssub.s32 $0x4000, s2  }
0x7: {  	s8 =	simm.s32 $0x20000;
	s13 =	simm.s32 $0x0;
	s3 =	sand.u32 $0xF80, s1  }
0x8: {  	s9 =	simm.s32 $0x0;
	s5 =	sshrl.u32 s1, $0xC;
	p0 =	sne.s32 s3, $0x0  }
.Ltmp0:
0x9: {  	s1 =	rddreg [dreg:$0x2];
	s4 =	simm.s32 @!p0 $0x0;
	(pc) =	sbr.rel .LBB1_1-.Ltmp0, $4  }
0xa: {  	s11 =	simm.s32 $0x0;
	s3 =	rddreg [dreg:$0x1];
	s5 =	sadd.s32 s4, s5  }
0xb: {  	_ =	strace $0x8000004A;
	s4 =	simm.s32 $0x1;
	s5 =	smul.u32 $0x14, s5  }
0xc: {  	s6 =	sadd.s32 $0xF42C00, s6;
	s10 =	smov.u32 s2;
	[sflag:s4] =	ssyncpa.u1 $0x0  }
0xd: {  	p0 =	por $0x0, $0x0;
	[sflag:s7] =	ssyncpa.u1 $0x0;
	s7 =	sor.u32 $0x1, s5  }
.LBB1_4:
0xe: {  	s16 =	sshll.u32 s13, $0x3;
	s17 =	sand.u32 $0x78, s13  }
0xf: {  	s30 =	sand.u32 $0x1F800, s13;
	s12 =	sshll.u32 s12, $0x11;
	s16 =	sand.u32 $0x3C00, s16  }
0x10: {  	[tilespmem:s15+$0x810 ss:$0x81] =	vst.msk $0xffff, v2;
	s31 =	sand.u32 $0x7, s13;
	s16 =	sor.u32 s17, s16;
	s17 =	sadd.s32 s3, s30  }
0x11: {  	[tilespmem:s15+$0x1020 ss:$0x81] =	vst.msk $0xffff, v0;
	s13 =	sshll.u32 s31, $0x12;
	s12 =	sadd.s32 s12, s17;
	s16 =	sshrl.u32 s16, $0x3  }
0x12: {  	[tilespmem:s15+$0x0 ss:$0x81] =	vst.msk $0xffff, v1;
	s13 =	sor.u32 $0x400, s13;
	s12 =	sadd.s32 s16, s12  }
0x13: {  	[hbm4b:s12+s13] =	stream.strided.scatter [tilespmem:s14], [sflag:$0x2], $0x2000, s8, s13, $0x20;
	[tilespmem:$0x8080] =	vst v63  }
.LBB1_5:
0x14: {  	s14 =	sadd.s32 $0x1, s9  }
0x15: {  	s12 =	sadd.s32 $0x1000, s10;
	s16 =	smov.u32 s10;
	p2 =	sgt.s32 s14, $0x13  }
0x16: {  	s16 =	smov.u32 @p2 s12  }
0x17: {  	s14 =	simm.s32 @p2 $0x0;
	p2 =	sgt.s32 s16, $0x3FFF  }
0x18: {  	s16 =	smov.u32 @p2 s2;
	p2 =	sne.s32 s11, s7  }
.Ltmp1:
0x19: {  	p1 =	slt.u32 s11, $0x2;
	(pc) =	sbr.rel @!p2 .LBB1_6-.Ltmp1, $4  }
0x1a: {  	s15 =	simm.s32 @!p1 $0x2  }
0x1b: {  	s13 =	smov.u32 s10;
	p0 =	por !p0, !p0;
	_ =	swait.ge @!p1 [sflag:s15], $0x2000  }
0x1c: {  	s12 =	smov.u32 s9;
	[sflag:s15] =	ssyncset.done @!p1 $0x0;
	s9 =	smov.u32 s14  }
0x1d: {  	s11 =	sadd.s32 $0x1, s11;
	[sflag:s15] =	ssyncadd.s32 @!p1 $0xFFFFE000;
	s10 =	smov.u32 s16  }
.LBB1_1:
0x1e: {  	p1 =	sge.u32 s11, s5  }
0x1f: {  	s14 =	sand.u32 @!p1 $0x1FFFFFF, s9  }
0x20: {  	s15 =	smulhi.u32 @!p1 $0xAAAAAAB, s14;
	_ =	sdelay $0x1  }
0x21: {  	s15 =	smul.u32 @!p1 $0x18, s15  }
0x22: {  	s16 =	sxor.u32 @!p1 $0xFFFFFFFF, s11;
	s17 =	smul.u32 @!p1 $0x180, s10  }
0x23: {  	s31 =	sadd.s32 $0xFFFFFFFF, s11;
	s16 =	sshll.u32 @!p1 s16, $0xD;
	s14 =	ssub.s32 @!p1 s14, s15  }
0x24: {  	s15 =	sand.u32 @!p1 $0x2000, s16;
	s16 =	sadd.s32 @!p1 s6, s17;
	s14 =	sshll.u32 @!p1 s14, $0x4  }
0x25: {  	s17 =	simm.s32 @!p1 $0xC00;
	s14 =	sadd.s32 @!p1 s14, s16;
	s16 =	simm.s32 @!p1 $0x40  }
0x26: {  	[tilespmem:s15], [sflag:$0x1] =	stream.strided.gather @!p1 [hbm4b:s14+s16], $0x2000, s17, s16, $0x38;
	[tilespmem:$0x8080] =	vst v63  }
0x27: {  	p1 =	sge.u32 s31, s5  }
.Ltmp2:
0x28: {  	_ = 	snop;
	(pc) =	sbr.rel @p1 .LBB1_5-.Ltmp2, $1  }
0x29: {  	_ =	sdelay $0x3  }
0x2a: {  	s14 =	simm.s32 $0x1  }
0x2b: {  	_ =	swait.ge [sflag:s4], $0x2000;
	s14 =	simm.s32 @!p0 $0x0  }
0x2c: {  	[sflag:s4] =	ssyncset.done $0x0;
	s15 =	sshll.u32 s14, $0xD  }
0x2d: {  	[sflag:s4] =	ssyncadd.s32 $0xFFFFE000;
	s18 =	sor.u32 $0x20, s15  }
0x2e: {  	s14 =	smul.u32 $0x8100, s14;
	v3 =	vld [tilespmem:s18+$0x10]  }
0x2f: {  	s30 =	sand.u32 $0x1, s11;
	v2 =	vld [tilespmem:s18+$0xFFFFFFF0]  }
0x30: {  	s15 =	smul.u32 $0x8100, s30;
	s14 =	sshrl.u32 s14, $0x2;
	v0 =	vld [tilespmem:s18+$0x0]  }
0x31: {  	v1 =	vld [tilespmem:s18+$0xFFFFFFE0];
	s16 =	sor.u32 $0x4000, s14  }
0x32: {  	s31 =	sshrl.u32 s15, $0x2;
	s15 =	sadd.s32 $0x0, s16  }
0x33: {  	s17 =	simm.s32 $0x4;
	s18 =	sadd.s32 $0x40, s18;
	s14 =	sor.u32 $0x4000, s31;
	[tilespmem:s15+$0x1830 ss:$0x81] =	vst.msk $0xffff, v3  }
.LBB1_3:
0x34: {  	v3 =	vld [tilespmem:s18+$0x10];
	p1 =	sne.s32 s17, $0x1FC;
	[tilespmem:s15+$0x810 ss:$0x81] =	vst.msk $0xffff, v2;
	s19 =	smov.u32 s17;
	s17 =	sadd.s32 $0x4, s17  }
.Ltmp3:
0x35: {  	v2 =	vld [tilespmem:s18+$0xFFFFFFF0];
	[tilespmem:s15+$0x1020 ss:$0x81] =	vst.msk $0xffff, v0;
	(pc) =	sbr.rel @p1 .LBB1_3-.Ltmp3, $4  }
0x36: {  	v0 =	vld [tilespmem:s18+$0x0];
	[tilespmem:s15+$0x0 ss:$0x81] =	vst.msk $0xffff, v1  }
0x37: {  	s15 =	sshra.s32 s19, $0x2;
	v1 =	vld [tilespmem:s18+$0xFFFFFFE0]  }
0x38: {  	s15 =	sadd.s32 s15, s16  }
0x39: {  	s18 =	sadd.s32 $0x40, s18;
	[tilespmem:s15+$0x1830 ss:$0x81] =	vst.msk $0xffff, v3  }
.Ltmp4:
0x3a: {  	_ = 	snop;
	(pc) =	sbr.rel .LBB1_4-.Ltmp4, $1  }
0x3b: {  	_ =	sdelay $0x3  }
.LBB1_6:
0x3c: {  	_ =	sfence.sel $0x180000  }
0x3d: {  	s2 =	simm.s32 $0x1;
	[bflag:$0x0] =	sbarrier.arrive $0xFFFF  }
0x3e: {  	s31 =	simm.s32 $0x2;
	[sflag:s2] =	ssyncpa.u1 $0x1  }
0x3f: {  	[sflag:s31] =	ssyncpa.u1 $0x1  }
0x40: {  	p0 =	sne.s32 s0, $0x0;
	_ =	strace $0x9000004A  }
0x41: {  	s0 =	sadd.s32 @!p0 $0x100000, s1;
	[bflag:$0x2] =	sbarrier.arrive $0xFFFF  }
0x42: {  	[sflag:s0] =	ssyncadd.tile.s32 @!p0 $0x1;
	_ =	shalt  }
.Lfunc_end1:
_tile_overlayer_lowered:
.L_overlay_start_2:
0x43: {  	(tag) =	ssettag $0x2  }
0x44: {  	s0 =	rddreg [dreg:$0x0];
	s2 =	stileid.u32  }
0x45: {  	s1 =	rddreg [dreg:$0x1];
	p0 =	sne.s32 s2, $0x0  }
0x46: {  	s3 =	rddreg [dreg:$0x2];
	[bflag:$0x3] =	sbarrier.arrive $0xFFFF;
	s2 =	simm.s32 @!p0 $0x1C01  }
0x47: {  	[timem:s3], [sflag:s2] =	dma.local @!p0 [hbm:s0], s1  }
0x48: {  	s0 =	simm.s32 @!p0 $0x1  }
0x49: {  	_ =	swait.ge @!p0 [sflag:s0], s1  }
0x4a: {  	s1 =	ssub.s32 @!p0 $0x0, s1;
	[sflag:s0] =	ssyncset.done @!p0 $0x0  }
0x4b: {  	[sflag:s0] =	ssyncadd.s32 @!p0 s1  }
0x4c: {  	[bflag:$0x3] =	sbarrier.arrive $0xFFFF  }
0x4d: {  	_ =	shalt  }

</sc_bundles>
